<compile_context>
chip_gen: v7x
topology: tpu7x:2x2x1
jax: 0.10.2.dev20260603
libtpu: 0.0.44.dev20260713+nightly
codegen_flags: <defaults>
</compile_context>

<pallas_src>
import functools

import jax
import jax.numpy as jnp
from jax import lax
from jax.experimental import pallas as pl
from jax.experimental.pallas import tpu as pltpu
from jax.experimental.pallas import tpu_sc as plsc


def _tc1_body(obj_ref, attr_ref, wa_ref, ba_ref, wt_ref, bt_ref, ws_ref,
              wo_ref, attr_out, ps_out, po_out):
    obj = obj_ref[...]
    attr_p = jnp.dot(attr_ref[...], wa_ref[...],
                     preferred_element_type=jnp.float32) + ba_ref[...]
    d = obj.shape[-1]
    h = (jnp.dot(obj, wt_ref[:d, :], preferred_element_type=jnp.float32)
         + jnp.dot(attr_p, wt_ref[d:, :], preferred_element_type=jnp.float32)
         + bt_ref[...])
    attr_out[...] = jnp.maximum(h, 0.0) + attr_p
    ps_out[...] = jnp.dot(obj, ws_ref[...], preferred_element_type=jnp.float32)
    po_out[...] = jnp.dot(obj, wo_ref[...], preferred_element_type=jnp.float32)


def _tc1(obj2, attr2, W_att, b_att, W_attr, b_attr, W_s, W_o):
    n, d = obj2.shape
    grid = 10
    blk = n // grid
    full = lambda i: (0, 0)
    row = lambda i: (i, 0)
    return pl.pallas_call(
        _tc1_body,
        grid=(grid,),
        in_specs=[
            pl.BlockSpec((blk, d), row),
            pl.BlockSpec((blk, 2 * d), row),
            pl.BlockSpec((2 * d, d), full),
            pl.BlockSpec((1, d), full),
            pl.BlockSpec((2 * d, d), full),
            pl.BlockSpec((1, d), full),
            pl.BlockSpec((d, d), full),
            pl.BlockSpec((d, d), full),
        ],
        out_specs=[
            pl.BlockSpec((blk, d), row),
            pl.BlockSpec((blk, d), row),
            pl.BlockSpec((blk, d), row),
        ],
        out_shape=[
            jax.ShapeDtypeStruct((n, d), jnp.float32),
            jax.ShapeDtypeStruct((n, d), jnp.float32),
            jax.ShapeDtypeStruct((n, d), jnp.float32),
        ],
    )(obj2, attr2, W_att, b_att, W_attr, b_attr, W_s, W_o)


_GRP = 128
_NW = 32


def _sc_body(d, nblk, ps_hbm, po_hbm, sidx_hbm, oidx_hbm, out_hbm,
             sidx_v, oidx_v, av0, bv0, av1, bv1, gs0, gs1, ws0, ws1):
    wid = lax.axis_index("s") * 2 + lax.axis_index("c")
    grp0 = wid * nblk
    pltpu.sync_copy(sidx_hbm.at[wid], sidx_v)
    pltpu.sync_copy(oidx_hbm.at[wid], oidx_v)

    bufs = ((av0, bv0, gs0, ws0), (av1, bv1, gs1, ws1))

    def fire(gb, p):
        av, bv, gs, _ = bufs[p]
        pltpu.async_copy(ps_hbm.at[sidx_v.at[gb]], av, gs)
        pltpu.async_copy(po_hbm.at[oidx_v.at[gb]], bv, gs)

    def drain_gather(p):
        av, bv, gs, _ = bufs[p]
        pltpu.make_async_copy(ps_hbm.at[pl.ds(0, _GRP)], av, gs).wait()
        pltpu.make_async_copy(po_hbm.at[pl.ds(0, _GRP)], bv, gs).wait()

    def drain_wb(p):
        av, _, _, ws = bufs[p]
        pltpu.make_async_copy(av, out_hbm.at[pl.ds(0, _GRP)], ws).wait()

    fire(0, 0)

    def step(i, carry):
        for p in range(2):
            gb = 2 * i + p
            @pl.when(gb + 1 < nblk)
            def _():
                @pl.when(gb >= 1)
                def _():
                    drain_wb(p ^ 1)
                fire(gb + 1, p ^ 1)

            av, bv, _, ws = bufs[p]
            drain_gather(p)

            def row(r, c):
                for j in range(d // 16):
                    sl = pl.ds(j * 16, 16)
                    av[r, sl] = av[r, sl] + bv[r, sl]
                return c

            lax.fori_loop(0, _GRP, row, 0)
            row_base = (grp0 + gb) * _GRP
            pltpu.async_copy(av, out_hbm.at[pl.ds(row_base, _GRP)], ws)
        return carry

    lax.fori_loop(0, nblk // 2, step, 0)
    drain_wb(0)
    drain_wb(1)


def _sc_gather_sum(ps, po, sidx2, oidx2):
    n_grp = sidx2.shape[0]
    nblk = n_grp // _NW
    ep = n_grp * _GRP
    d = ps.shape[1]
    sidx3 = sidx2.reshape(_NW, nblk, _GRP)
    oidx3 = oidx2.reshape(_NW, nblk, _GRP)
    mesh = plsc.VectorSubcoreMesh(core_axis_name="c", subcore_axis_name="s")
    f = pl.kernel(
        functools.partial(_sc_body, d, nblk),
        out_type=jax.ShapeDtypeStruct((ep, d), jnp.float32),
        mesh=mesh,
        scratch_types=[
            pltpu.VMEM((nblk, _GRP), jnp.int32),
            pltpu.VMEM((nblk, _GRP), jnp.int32),
            pltpu.VMEM((_GRP, d), jnp.float32),
            pltpu.VMEM((_GRP, d), jnp.float32),
            pltpu.VMEM((_GRP, d), jnp.float32),
            pltpu.VMEM((_GRP, d), jnp.float32),
            pltpu.SemaphoreType.DMA,
            pltpu.SemaphoreType.DMA,
            pltpu.SemaphoreType.DMA,
            pltpu.SemaphoreType.DMA,
        ],
    )
    return f(ps, po, sidx3, oidx3)


def _tc2_body(sum_ref, rela_ref, wr_ref, br_ref, mask_ref, out_ref):
    rela = rela_ref[...]
    h = (sum_ref[...]
         + jnp.dot(rela, wr_ref[...], preferred_element_type=jnp.float32)
         + br_ref[...])
    out_ref[...] = (jnp.maximum(h, 0.0) + rela) * mask_ref[...]


_TBLK = 1280


def _tc2(sum_h, rela2, W_r, b_rela, mask2, blk0, grid, prev=None):
    e, d = rela2.shape
    full = lambda i: (0, 0)
    row = lambda i: (i, 0)
    off = lambda i: (blk0 + i, 0)
    body = _tc2_body if prev is None else (
        lambda p_ref, *a: _tc2_body(*a))
    in_specs = [
        pl.BlockSpec((_TBLK, d), row),
        pl.BlockSpec((_TBLK, d), off),
        pl.BlockSpec((d, d), full),
        pl.BlockSpec((1, d), full),
        pl.BlockSpec((_TBLK, 1), off),
    ]
    args = (sum_h, rela2, W_r, b_rela, mask2)
    aliases = {}
    if prev is not None:
        in_specs = [pl.BlockSpec(memory_space=pltpu.MemorySpace.HBM)] + in_specs
        args = (prev,) + args
        aliases = {0: 0}
    return pl.pallas_call(
        body,
        grid=(grid,),
        in_specs=in_specs,
        out_specs=pl.BlockSpec((_TBLK, d), off),
        out_shape=jax.ShapeDtypeStruct((e, d), jnp.float32),
        input_output_aliases=aliases,
    )(*args)


def kernel(obj_vecs, attr_vecs, rela_vecs, edges, rela_masks,
           W_att, b_att, W_attr, b_attr, W_rela, b_rela):
    b, no, d = obj_vecs.shape
    nr = rela_vecs.shape[1]
    obj2 = obj_vecs.reshape(b * no, d)
    attr2 = attr_vecs.reshape(b * no, 2 * d)
    rela2 = rela_vecs.reshape(b * nr, d)

    new_attr2, ps, po = _tc1(obj2, attr2, W_att, b_att.reshape(1, d),
                             W_attr, b_attr.reshape(1, d),
                             W_rela[:d], W_rela[2 * d:])

    offs = jnp.arange(b, dtype=edges.dtype) * no
    e2 = (edges + offs[:, None, None]).reshape(-1, 2)
    e = b * nr
    n_grp = -(-e // (_GRP * _NW)) * _NW
    ep = n_grp * _GRP
    pad = jnp.zeros((ep - e,), e2.dtype)
    sidx2 = jnp.concatenate([e2[:, 0], pad]).reshape(n_grp, _GRP)
    oidx2 = jnp.concatenate([e2[:, 1], pad]).reshape(n_grp, _GRP)

    W_r = W_rela[d:2 * d]
    br = b_rela.reshape(1, d)
    mask2 = rela_masks.reshape(b * nr, 1)

    hg = n_grp // 2
    he = hg * _GRP
    sums = [_sc_gather_sum(ps, po,
                           sidx2[h * hg:(h + 1) * hg],
                           oidx2[h * hg:(h + 1) * hg])
            for h in range(2)]
    dep = sums[1][0, 0] * 0.0
    new_rela2 = None
    for h in range(2):
        lo = h * he
        hi = min((h + 1) * he, e)
        new_rela2 = _tc2(sums[h], rela2, W_r, br + dep, mask2,
                         blk0=lo // _TBLK, grid=(hi - lo) // _TBLK,
                         prev=new_rela2)

    return (obj_vecs,
            new_attr2.reshape(b, no, d),
            new_rela2.reshape(b, nr, d))

# --- scband reference (transcript-rebuilt; emitter-appended) ---
"""Pipeline reference for scband-gnn-64476049047928 (READ-ONLY COPY).

The authoritative reference and input builder live on the scoring server;
editing this copy changes nothing except your own understanding.
"""

import jax, jax.numpy as jnp
import numpy as np

B, No, Nr, D = 10, 1000, 16000, 128

def setup_inputs(seed: int = 0):
    key = jax.random.key(seed)
    ks = jax.random.split(key, 10)
    inp = {}
    inp["obj_vecs"] = jax.random.normal(ks[0], (B, No, D), dtype=jnp.float32)
    inp["attr_vecs"] = jax.random.normal(ks[1], (B, No, 2 * D), dtype=jnp.float32)
    inp["rela_vecs"] = jax.random.normal(ks[2], (B, Nr, D), dtype=jnp.float32)
    inp["edges"] = jax.random.randint(ks[3], (B, Nr, 2), 0, No, dtype=jnp.int32)
    inp["rela_masks"] = jnp.ones((B, Nr, 1), dtype=jnp.float32)
    # learned params: att_vecs Linear(2D -> D); gnn_attr Linear(2D -> D); gnn_rela Linear(3D -> D)
    inp["W_att"] = jax.random.normal(ks[4], (2 * D, D), dtype=jnp.float32) * 0.02
    inp["b_att"] = jnp.zeros((D,), dtype=jnp.float32)
    inp["W_attr"] = jax.random.normal(ks[5], (2 * D, D), dtype=jnp.float32) * 0.02
    inp["b_attr"] = jnp.zeros((D,), dtype=jnp.float32)
    inp["W_rela"] = jax.random.normal(ks[6], (3 * D, D), dtype=jnp.float32) * 0.02
    inp["b_rela"] = jnp.zeros((D,), dtype=jnp.float32)
    return inp

def reference(obj_vecs, attr_vecs, rela_vecs, edges, rela_masks, W_att, b_att, W_attr, b_attr, W_rela, b_rela):
    # att_vecs linear on attributes (eval mode: dropout is identity)
    attr_p = attr_vecs @ W_att + b_att
    Bb, Nn = obj_vecs.shape[0], obj_vecs.shape[1]
    # feat_3d_to_2d
    obj2 = obj_vecs.reshape(-1, obj_vecs.shape[-1])
    attr2 = attr_p.reshape(-1, attr_p.shape[-1])
    rela2 = rela_vecs.reshape(-1, rela_vecs.shape[-1])
    offsets = jnp.arange(0, Bb * Nn, Nn, dtype=edges.dtype)
    e2 = (edges + offsets[:, None, None]).reshape(-1, edges.shape[-1])
    # gnn_attr: Linear + ReLU (+ dropout p=0.0) with residual
    new_obj2 = obj2
    new_attr2 = jnp.maximum(jnp.concatenate([obj2, attr2], axis=-1) @ W_attr + b_attr, 0.0) + attr2
    # gnn_rela (rela_gnn_type == 0): gather subject/object node features
    s_vecs = jnp.take(obj2, e2[:, 0], axis=0)
    o_vecs = jnp.take(obj2, e2[:, 1], axis=0)
    t_vecs = jnp.concatenate([s_vecs, rela2, o_vecs], axis=1)
    new_rela2 = jnp.maximum(t_vecs @ W_rela + b_rela, 0.0) + rela2
    # feat_2d_to_3d
    new_obj = new_obj2.reshape(Bb, Nn, -1)
    new_attr = new_attr2.reshape(Bb, Nn, -1)
    new_rela = new_rela2.reshape(Bb, -1, new_rela2.shape[-1]) * rela_masks
    return (new_obj, new_attr, new_rela)

if __name__ == "__main__":
    import jax
    _d = setup_inputs()
    print(jax.jit(kernel)(*tuple(_d.values())))

</pallas_src>

<mosaic_0001>
#map = affine_map<(d0, d1) -> (0, 0)>
#map1 = affine_map<(d0, d1) -> (0, 0, 0)>
module attributes {stable_mosaic.version = 14 : i64} {
  func.func @_sc_body(%arg0: i32, %arg1: i32, %arg2: memref<10000x128xf32, #tpu.memory_space<hbm>>, %arg3: memref<10000x128xf32, #tpu.memory_space<hbm>>, %arg4: memref<32x20x128xi32, #tpu.memory_space<hbm>>, %arg5: memref<32x20x128xi32, #tpu.memory_space<hbm>>, %arg6: memref<81920x128xf32, #tpu.memory_space<hbm>>, %arg7: memref<20x128xi32, #tpu.memory_space<vmem>>, %arg8: memref<20x128xi32, #tpu.memory_space<vmem>>, %arg9: memref<128x128xf32, #tpu.memory_space<vmem>>, %arg10: memref<128x128xf32, #tpu.memory_space<vmem>>, %arg11: memref<128x128xf32, #tpu.memory_space<vmem>>, %arg12: memref<128x128xf32, #tpu.memory_space<vmem>>, %arg13: memref<!tpu.dma_semaphore, #tpu.memory_space<semaphore_mem>>, %arg14: memref<!tpu.dma_semaphore, #tpu.memory_space<semaphore_mem>>, %arg15: memref<!tpu.dma_semaphore, #tpu.memory_space<semaphore_mem>>, %arg16: memref<!tpu.dma_semaphore, #tpu.memory_space<semaphore_mem>>) attributes {dimension_semantics = [#tpu.dimension_semantics<core_parallel>, #tpu.dimension_semantics<subcore_parallel>], iteration_bounds = array<i64: 2, 16>, scalar_prefetch = 0 : i64, scratch_operands = 10 : i64, tpu.core_type = #tpu.core_type<sc_vector_subcore>, window_params = [{transform_indices = #map}, {transform_indices = #map}, {transform_indices = #map1}, {transform_indices = #map1}, {transform_indices = #map}]} {
    %mul3A = arith.constant 2 : i32
    %mul3A_0 = arith.muli %arg1, %mul3A : i32
    %add3A = arith.addi %mul3A_0, %arg0 : i32
    %mul3A_1 = arith.constant 20 : i32
    %mul3A_2 = arith.muli %add3A, %mul3A_1 : i32
    "tpu.region"() ({
      %run_scoped3A = tpu.sem_alloc : memref<!tpu.dma_semaphore, #tpu.memory_space<semaphore_mem>>
      %dma_start3A_32 = arith.constant 0 : i32
      %dma_start3A_33 = arith.constant 0 : i32
      %dma_start3A_34 = tpu.memref_slice %arg4[%add3A, %dma_start3A_32, %dma_start3A_33] : memref<32x20x128xi32, #tpu.memory_space<hbm>> -> memref<1x20x128xi32, #tpu.memory_space<hbm>>
      %dma_start3A_35 = tpu.memref_squeeze %dma_start3A_34 : memref<1x20x128xi32, #tpu.memory_space<hbm>> -> memref<20x128xi32, #tpu.memory_space<hbm>>
      %dma_start3A_36 = arith.constant 0 : i32
      %dma_start3A_37 = arith.constant 0 : i32
      %dma_start3A_38 = tpu.memref_slice %arg4[%add3A, %dma_start3A_36, %dma_start3A_37] : memref<32x20x128xi32, #tpu.memory_space<hbm>> -> memref<1x20x128xi32, #tpu.memory_space<hbm>>
      %dma_start3A_39 = tpu.memref_squeeze %dma_start3A_38 : memref<1x20x128xi32, #tpu.memory_space<hbm>> -> memref<20x128xi32, #tpu.memory_space<hbm>>
      tpu.enqueue_dma source(%dma_start3A_39 : memref<20x128xi32, #tpu.memory_space<hbm>>) target(%arg7 : memref<20x128xi32, #tpu.memory_space<vmem>>) target_semaphore(%run_scoped3A : memref<!tpu.dma_semaphore, #tpu.memory_space<semaphore_mem>>)
      %dma_wait3A_40 = arith.constant 0 : i32
      %dma_wait3A_41 = arith.constant 0 : i32
      %dma_wait3A_42 = tpu.memref_slice %arg4[%add3A, %dma_wait3A_40, %dma_wait3A_41] : memref<32x20x128xi32, #tpu.memory_space<hbm>> -> memref<1x20x128xi32, #tpu.memory_space<hbm>>
      %dma_wait3A_43 = tpu.memref_squeeze %dma_wait3A_42 : memref<1x20x128xi32, #tpu.memory_space<hbm>> -> memref<20x128xi32, #tpu.memory_space<hbm>>
      %dma_wait3A_44 = arith.constant 0 : i32
      %dma_wait3A_45 = arith.constant 0 : i32
      %dma_wait3A_46 = tpu.memref_slice %arg4[%add3A, %dma_wait3A_44, %dma_wait3A_45] : memref<32x20x128xi32, #tpu.memory_space<hbm>> -> memref<1x20x128xi32, #tpu.memory_space<hbm>>
      %dma_wait3A_47 = tpu.memref_squeeze %dma_wait3A_46 : memref<1x20x128xi32, #tpu.memory_space<hbm>> -> memref<20x128xi32, #tpu.memory_space<hbm>>
      tpu.wait_dma2 semaphore(%run_scoped3A : memref<!tpu.dma_semaphore, #tpu.memory_space<semaphore_mem>>) src(%dma_wait3A_47 : memref<20x128xi32, #tpu.memory_space<hbm>>) dst(%arg7 : memref<20x128xi32, #tpu.memory_space<vmem>>)
      tpu.yield
    }) : () -> ()
    "tpu.region"() ({
      %run_scoped3A = tpu.sem_alloc : memref<!tpu.dma_semaphore, #tpu.memory_space<semaphore_mem>>
      %dma_start3A_32 = arith.constant 0 : i32
      %dma_start3A_33 = arith.constant 0 : i32
      %dma_start3A_34 = tpu.memref_slice %arg5[%add3A, %dma_start3A_32, %dma_start3A_33] : memref<32x20x128xi32, #tpu.memory_space<hbm>> -> memref<1x20x128xi32, #tpu.memory_space<hbm>>
      %dma_start3A_35 = tpu.memref_squeeze %dma_start3A_34 : memref<1x20x128xi32, #tpu.memory_space<hbm>> -> memref<20x128xi32, #tpu.memory_space<hbm>>
      %dma_start3A_36 = arith.constant 0 : i32
      %dma_start3A_37 = arith.constant 0 : i32
      %dma_start3A_38 = tpu.memref_slice %arg5[%add3A, %dma_start3A_36, %dma_start3A_37] : memref<32x20x128xi32, #tpu.memory_space<hbm>> -> memref<1x20x128xi32, #tpu.memory_space<hbm>>
      %dma_start3A_39 = tpu.memref_squeeze %dma_start3A_38 : memref<1x20x128xi32, #tpu.memory_space<hbm>> -> memref<20x128xi32, #tpu.memory_space<hbm>>
      tpu.enqueue_dma source(%dma_start3A_39 : memref<20x128xi32, #tpu.memory_space<hbm>>) target(%arg8 : memref<20x128xi32, #tpu.memory_space<vmem>>) target_semaphore(%run_scoped3A : memref<!tpu.dma_semaphore, #tpu.memory_space<semaphore_mem>>)
      %dma_wait3A_40 = arith.constant 0 : i32
      %dma_wait3A_41 = arith.constant 0 : i32
      %dma_wait3A_42 = tpu.memref_slice %arg5[%add3A, %dma_wait3A_40, %dma_wait3A_41] : memref<32x20x128xi32, #tpu.memory_space<hbm>> -> memref<1x20x128xi32, #tpu.memory_space<hbm>>
      %dma_wait3A_43 = tpu.memref_squeeze %dma_wait3A_42 : memref<1x20x128xi32, #tpu.memory_space<hbm>> -> memref<20x128xi32, #tpu.memory_space<hbm>>
      %dma_wait3A_44 = arith.constant 0 : i32
      %dma_wait3A_45 = arith.constant 0 : i32
      %dma_wait3A_46 = tpu.memref_slice %arg5[%add3A, %dma_wait3A_44, %dma_wait3A_45] : memref<32x20x128xi32, #tpu.memory_space<hbm>> -> memref<1x20x128xi32, #tpu.memory_space<hbm>>
      %dma_wait3A_47 = tpu.memref_squeeze %dma_wait3A_46 : memref<1x20x128xi32, #tpu.memory_space<hbm>> -> memref<20x128xi32, #tpu.memory_space<hbm>>
      tpu.wait_dma2 semaphore(%run_scoped3A : memref<!tpu.dma_semaphore, #tpu.memory_space<semaphore_mem>>) src(%dma_wait3A_47 : memref<20x128xi32, #tpu.memory_space<hbm>>) dst(%arg8 : memref<20x128xi32, #tpu.memory_space<vmem>>)
      tpu.yield
    }) : () -> ()
    %dma_start3A = arith.constant 0 : i32
    %dma_start3A_3 = arith.constant 0 : i32
    %dma_start3A_4 = tpu.memref_slice %arg7[%dma_start3A, %dma_start3A_3] : memref<20x128xi32, #tpu.memory_space<vmem>> -> memref<1x128xi32, #tpu.memory_space<vmem>>
    %dma_start3A_5 = tpu.memref_squeeze %dma_start3A_4 : memref<1x128xi32, #tpu.memory_space<vmem>> -> memref<128xi32, #tpu.memory_space<vmem>>
    %dma_start3A_6 = arith.constant 0 : i32
    %dma_start3A_7 = arith.constant 0 : i32
    %dma_start3A_8 = tpu.memref_slice %arg2[%dma_start3A_6, %dma_start3A_7] : memref<10000x128xf32, #tpu.memory_space<hbm>> -> memref<10000x128xf32, #tpu.memory_space<hbm>>
    tpu.enqueue_indirect_dma source(%dma_start3A_8 : memref<10000x128xf32, #tpu.memory_space<hbm>>) target(%arg9 : memref<128x128xf32, #tpu.memory_space<vmem>>) offsets(%dma_start3A_5 : memref<128xi32, #tpu.memory_space<vmem>>) semaphore(%arg13 : memref<!tpu.dma_semaphore, #tpu.memory_space<semaphore_mem>>)
    %dma_start3A_9 = arith.constant 0 : i32
    %dma_start3A_10 = arith.constant 0 : i32
    %dma_start3A_11 = tpu.memref_slice %arg8[%dma_start3A_9, %dma_start3A_10] : memref<20x128xi32, #tpu.memory_space<vmem>> -> memref<1x128xi32, #tpu.memory_space<vmem>>
    %dma_start3A_12 = tpu.memref_squeeze %dma_start3A_11 : memref<1x128xi32, #tpu.memory_space<vmem>> -> memref<128xi32, #tpu.memory_space<vmem>>
    %dma_start3A_13 = arith.constant 0 : i32
    %dma_start3A_14 = arith.constant 0 : i32
    %dma_start3A_15 = tpu.memref_slice %arg3[%dma_start3A_13, %dma_start3A_14] : memref<10000x128xf32, #tpu.memory_space<hbm>> -> memref<10000x128xf32, #tpu.memory_space<hbm>>
    tpu.enqueue_indirect_dma source(%dma_start3A_15 : memref<10000x128xf32, #tpu.memory_space<hbm>>) target(%arg10 : memref<128x128xf32, #tpu.memory_space<vmem>>) offsets(%dma_start3A_12 : memref<128xi32, #tpu.memory_space<vmem>>) semaphore(%arg13 : memref<!tpu.dma_semaphore, #tpu.memory_space<semaphore_mem>>)
    %scan3A = arith.constant 0 : i32
    %scan3A_16 = arith.constant 0 : i32
    %scan3A_17 = arith.constant 10 : i32
    %scan3A_18 = arith.addi %scan3A_16, %scan3A_17 : i32
    %scan3A_19 = arith.constant 1 : i32
    scf.for %scan3A_32 = %scan3A_16 to %scan3A_18 step %scan3A_19  : i32 {
      %mul3A_33 = arith.constant 2 : i32
      %mul3A_34 = arith.muli %mul3A_33, %scan3A_32 : i32
      %add3A_35 = arith.constant 0 : i32
      %add3A_36 = arith.addi %mul3A_34, %add3A_35 : i32
      %add3A_37 = arith.constant 1 : i32
      %add3A_38 = arith.addi %add3A_36, %add3A_37 : i32
      %lt3A = arith.constant 20 : i32
      %lt3A_39 = arith.cmpi slt, %add3A_38, %lt3A : i32
      %convert_element_type3A = arith.extui %lt3A_39 : i1 to i32
      %cond3A = arith.constant 0 : i32
      %cond3A_40 = arith.cmpi ne, %convert_element_type3A, %cond3A : i32
      scf.if %cond3A_40 {
        %ge3A = arith.constant 1 : i32
        %ge3A_102 = arith.cmpi sge, %add3A_36, %ge3A : i32
        %convert_element_type3A_103 = arith.extui %ge3A_102 : i1 to i32
        %cond3A_104 = arith.constant 0 : i32
        %cond3A_105 = arith.cmpi ne, %convert_element_type3A_103, %cond3A_104 : i32
        scf.if %cond3A_105 {
          %dma_wait3A_120 = arith.constant 0 : i32
          %dma_wait3A_121 = arith.constant 0 : i32
          %dma_wait3A_122 = tpu.memref_slice %arg6[%dma_wait3A_120, %dma_wait3A_121] : memref<81920x128xf32, #tpu.memory_space<hbm>> -> memref<128x128xf32, #tpu.memory_space<hbm>>
          %dma_wait3A_123 = arith.constant 0 : i32
          %dma_wait3A_124 = arith.constant 0 : i32
          %dma_wait3A_125 = tpu.memref_slice %arg6[%dma_wait3A_123, %dma_wait3A_124] : memref<81920x128xf32, #tpu.memory_space<hbm>> -> memref<128x128xf32, #tpu.memory_space<hbm>>
          tpu.wait_dma2 semaphore(%arg16 : memref<!tpu.dma_semaphore, #tpu.memory_space<semaphore_mem>>) src(%arg11 : memref<128x128xf32, #tpu.memory_space<vmem>>) dst(%dma_wait3A_125 : memref<128x128xf32, #tpu.memory_space<hbm>>)
        } else {
        }
        %add3A_106 = arith.constant 1 : i32
        %add3A_107 = arith.addi %add3A_36, %add3A_106 : i32
        %dma_start3A_108 = arith.constant 0 : i32
        %dma_start3A_109 = tpu.memref_slice %arg7[%add3A_107, %dma_start3A_108] : memref<20x128xi32, #tpu.memory_space<vmem>> -> memref<1x128xi32, #tpu.memory_space<vmem>>
        %dma_start3A_110 = tpu.memref_squeeze %dma_start3A_109 : memref<1x128xi32, #tpu.memory_space<vmem>> -> memref<128xi32, #tpu.memory_space<vmem>>
        %dma_start3A_111 = arith.constant 0 : i32
        %dma_start3A_112 = arith.constant 0 : i32
        %dma_start3A_113 = tpu.memref_slice %arg2[%dma_start3A_111, %dma_start3A_112] : memref<10000x128xf32, #tpu.memory_space<hbm>> -> memref<10000x128xf32, #tpu.memory_space<hbm>>
        tpu.enqueue_indirect_dma source(%dma_start3A_113 : memref<10000x128xf32, #tpu.memory_space<hbm>>) target(%arg11 : memref<128x128xf32, #tpu.memory_space<vmem>>) offsets(%dma_start3A_110 : memref<128xi32, #tpu.memory_space<vmem>>) semaphore(%arg14 : memref<!tpu.dma_semaphore, #tpu.memory_space<semaphore_mem>>)
        %dma_start3A_114 = arith.constant 0 : i32
        %dma_start3A_115 = tpu.memref_slice %arg8[%add3A_107, %dma_start3A_114] : memref<20x128xi32, #tpu.memory_space<vmem>> -> memref<1x128xi32, #tpu.memory_space<vmem>>
        %dma_start3A_116 = tpu.memref_squeeze %dma_start3A_115 : memref<1x128xi32, #tpu.memory_space<vmem>> -> memref<128xi32, #tpu.memory_space<vmem>>
        %dma_start3A_117 = arith.constant 0 : i32
        %dma_start3A_118 = arith.constant 0 : i32
        %dma_start3A_119 = tpu.memref_slice %arg3[%dma_start3A_117, %dma_start3A_118] : memref<10000x128xf32, #tpu.memory_space<hbm>> -> memref<10000x128xf32, #tpu.memory_space<hbm>>
        tpu.enqueue_indirect_dma source(%dma_start3A_119 : memref<10000x128xf32, #tpu.memory_space<hbm>>) target(%arg12 : memref<128x128xf32, #tpu.memory_space<vmem>>) offsets(%dma_start3A_116 : memref<128xi32, #tpu.memory_space<vmem>>) semaphore(%arg14 : memref<!tpu.dma_semaphore, #tpu.memory_space<semaphore_mem>>)
      } else {
      }
      %dma_wait3A_41 = arith.constant 0 : i32
      %dma_wait3A_42 = arith.constant 0 : i32
      %dma_wait3A_43 = tpu.memref_slice %arg2[%dma_wait3A_41, %dma_wait3A_42] : memref<10000x128xf32, #tpu.memory_space<hbm>> -> memref<128x128xf32, #tpu.memory_space<hbm>>
      %dma_wait3A_44 = arith.constant 0 : i32
      %dma_wait3A_45 = arith.constant 0 : i32
      %dma_wait3A_46 = tpu.memref_slice %arg2[%dma_wait3A_44, %dma_wait3A_45] : memref<10000x128xf32, #tpu.memory_space<hbm>> -> memref<128x128xf32, #tpu.memory_space<hbm>>
      tpu.wait_dma2 semaphore(%arg13 : memref<!tpu.dma_semaphore, #tpu.memory_space<semaphore_mem>>) src(%dma_wait3A_46 : memref<128x128xf32, #tpu.memory_space<hbm>>) dst(%arg9 : memref<128x128xf32, #tpu.memory_space<vmem>>)
      %dma_wait3A_47 = arith.constant 0 : i32
      %dma_wait3A_48 = arith.constant 0 : i32
      %dma_wait3A_49 = tpu.memref_slice %arg3[%dma_wait3A_47, %dma_wait3A_48] : memref<10000x128xf32, #tpu.memory_space<hbm>> -> memref<128x128xf32, #tpu.memory_space<hbm>>
      %dma_wait3A_50 = arith.constant 0 : i32
      %dma_wait3A_51 = arith.constant 0 : i32
      %dma_wait3A_52 = tpu.memref_slice %arg3[%dma_wait3A_50, %dma_wait3A_51] : memref<10000x128xf32, #tpu.memory_space<hbm>> -> memref<128x128xf32, #tpu.memory_space<hbm>>
      tpu.wait_dma2 semaphore(%arg13 : memref<!tpu.dma_semaphore, #tpu.memory_space<semaphore_mem>>) src(%dma_wait3A_52 : memref<128x128xf32, #tpu.memory_space<hbm>>) dst(%arg10 : memref<128x128xf32, #tpu.memory_space<vmem>>)
      %scan3A_53 = arith.constant 0 : i32
      %scan3A_54 = arith.constant 0 : i32
      %scan3A_55 = arith.constant 128 : i32
      %scan3A_56 = arith.addi %scan3A_54, %scan3A_55 : i32
      %scan3A_57 = arith.constant 1 : i32
      scf.for %scan3A_102 = %scan3A_54 to %scan3A_56 step %scan3A_57  : i32 {
        %get3A = arith.index_cast %scan3A_102 : i32 to index
        %get3A_103 = arith.constant 0 : index
        %get3A_104 = tpu.vector_load %arg9[%get3A, %get3A_103] {strides = array<i32>} : memref<128x128xf32, #tpu.memory_space<vmem>>, vector<1x16xf32>,
        %get3A_105 = vector.shape_cast %get3A_104 : vector<1x16xf32> to vector<16xf32>
        %get3A_106 = arith.index_cast %scan3A_102 : i32 to index
        %get3A_107 = arith.constant 0 : index
        %get3A_108 = tpu.vector_load %arg10[%get3A_106, %get3A_107] {strides = array<i32>} : memref<128x128xf32, #tpu.memory_space<vmem>>, vector<1x16xf32>,
        %get3A_109 = vector.shape_cast %get3A_108 : vector<1x16xf32> to vector<16xf32>
        %add3A_110 = arith.addf %get3A_105, %get3A_109 : vector<16xf32>
        %swap3A = arith.index_cast %scan3A_102 : i32 to index
        %swap3A_111 = arith.constant 0 : index
        %swap3A_112 = tpu.vector_load %arg9[%swap3A, %swap3A_111] {strides = array<i32>} : memref<128x128xf32, #tpu.memory_space<vmem>>, vector<1x16xf32>,
        %swap3A_113 = vector.shape_cast %swap3A_112 : vector<1x16xf32> to vector<16xf32>
        %swap3A_114 = vector.shape_cast %add3A_110 : vector<16xf32> to vector<1x16xf32>
        tpu.vector_store %arg9[%swap3A, %swap3A_111], %swap3A_114 {strides = array<i32>} : memref<128x128xf32, #tpu.memory_space<vmem>>, vector<1x16xf32>,
        %get3A_115 = arith.index_cast %scan3A_102 : i32 to index
        %get3A_116 = arith.constant 16 : index
        %get3A_117 = tpu.vector_load %arg9[%get3A_115, %get3A_116] {strides = array<i32>} : memref<128x128xf32, #tpu.memory_space<vmem>>, vector<1x16xf32>,
        %get3A_118 = vector.shape_cast %get3A_117 : vector<1x16xf32> to vector<16xf32>
        %get3A_119 = arith.index_cast %scan3A_102 : i32 to index
        %get3A_120 = arith.constant 16 : index
        %get3A_121 = tpu.vector_load %arg10[%get3A_119, %get3A_120] {strides = array<i32>} : memref<128x128xf32, #tpu.memory_space<vmem>>, vector<1x16xf32>,
        %get3A_122 = vector.shape_cast %get3A_121 : vector<1x16xf32> to vector<16xf32>
        %add3A_123 = arith.addf %get3A_118, %get3A_122 : vector<16xf32>
        %swap3A_124 = arith.index_cast %scan3A_102 : i32 to index
        %swap3A_125 = arith.constant 16 : index
        %swap3A_126 = tpu.vector_load %arg9[%swap3A_124, %swap3A_125] {strides = array<i32>} : memref<128x128xf32, #tpu.memory_space<vmem>>, vector<1x16xf32>,
        %swap3A_127 = vector.shape_cast %swap3A_126 : vector<1x16xf32> to vector<16xf32>
        %swap3A_128 = vector.shape_cast %add3A_123 : vector<16xf32> to vector<1x16xf32>
        tpu.vector_store %arg9[%swap3A_124, %swap3A_125], %swap3A_128 {strides = array<i32>} : memref<128x128xf32, #tpu.memory_space<vmem>>, vector<1x16xf32>,
        %get3A_129 = arith.index_cast %scan3A_102 : i32 to index
        %get3A_130 = arith.constant 32 : index
        %get3A_131 = tpu.vector_load %arg9[%get3A_129, %get3A_130] {strides = array<i32>} : memref<128x128xf32, #tpu.memory_space<vmem>>, vector<1x16xf32>,
        %get3A_132 = vector.shape_cast %get3A_131 : vector<1x16xf32> to vector<16xf32>
        %get3A_133 = arith.index_cast %scan3A_102 : i32 to index
        %get3A_134 = arith.constant 32 : index
        %get3A_135 = tpu.vector_load %arg10[%get3A_133, %get3A_134] {strides = array<i32>} : memref<128x128xf32, #tpu.memory_space<vmem>>, vector<1x16xf32>,
        %get3A_136 = vector.shape_cast %get3A_135 : vector<1x16xf32> to vector<16xf32>
        %add3A_137 = arith.addf %get3A_132, %get3A_136 : vector<16xf32>
        %swap3A_138 = arith.index_cast %scan3A_102 : i32 to index
        %swap3A_139 = arith.constant 32 : index
        %swap3A_140 = tpu.vector_load %arg9[%swap3A_138, %swap3A_139] {strides = array<i32>} : memref<128x128xf32, #tpu.memory_space<vmem>>, vector<1x16xf32>,
        %swap3A_141 = vector.shape_cast %swap3A_140 : vector<1x16xf32> to vector<16xf32>
        %swap3A_142 = vector.shape_cast %add3A_137 : vector<16xf32> to vector<1x16xf32>
        tpu.vector_store %arg9[%swap3A_138, %swap3A_139], %swap3A_142 {strides = array<i32>} : memref<128x128xf32, #tpu.memory_space<vmem>>, vector<1x16xf32>,
        %get3A_143 = arith.index_cast %scan3A_102 : i32 to index
        %get3A_144 = arith.constant 48 : index
        %get3A_145 = tpu.vector_load %arg9[%get3A_143, %get3A_144] {strides = array<i32>} : memref<128x128xf32, #tpu.memory_space<vmem>>, vector<1x16xf32>,
        %get3A_146 = vector.shape_cast %get3A_145 : vector<1x16xf32> to vector<16xf32>
        %get3A_147 = arith.index_cast %scan3A_102 : i32 to index
        %get3A_148 = arith.constant 48 : index
        %get3A_149 = tpu.vector_load %arg10[%get3A_147, %get3A_148] {strides = array<i32>} : memref<128x128xf32, #tpu.memory_space<vmem>>, vector<1x16xf32>,
        %get3A_150 = vector.shape_cast %get3A_149 : vector<1x16xf32> to vector<16xf32>
        %add3A_151 = arith.addf %get3A_146, %get3A_150 : vector<16xf32>
        %swap3A_152 = arith.index_cast %scan3A_102 : i32 to index
        %swap3A_153 = arith.constant 48 : index
        %swap3A_154 = tpu.vector_load %arg9[%swap3A_152, %swap3A_153] {strides = array<i32>} : memref<128x128xf32, #tpu.memory_space<vmem>>, vector<1x16xf32>,
        %swap3A_155 = vector.shape_cast %swap3A_154 : vector<1x16xf32> to vector<16xf32>
        %swap3A_156 = vector.shape_cast %add3A_151 : vector<16xf32> to vector<1x16xf32>
        tpu.vector_store %arg9[%swap3A_152, %swap3A_153], %swap3A_156 {strides = array<i32>} : memref<128x128xf32, #tpu.memory_space<vmem>>, vector<1x16xf32>,
        %get3A_157 = arith.index_cast %scan3A_102 : i32 to index
        %get3A_158 = arith.constant 64 : index
        %get3A_159 = tpu.vector_load %arg9[%get3A_157, %get3A_158] {strides = array<i32>} : memref<128x128xf32, #tpu.memory_space<vmem>>, vector<1x16xf32>,
        %get3A_160 = vector.shape_cast %get3A_159 : vector<1x16xf32> to vector<16xf32>
        %get3A_161 = arith.index_cast %scan3A_102 : i32 to index
        %get3A_162 = arith.constant 64 : index
        %get3A_163 = tpu.vector_load %arg10[%get3A_161, %get3A_162] {strides = array<i32>} : memref<128x128xf32, #tpu.memory_space<vmem>>, vector<1x16xf32>,
        %get3A_164 = vector.shape_cast %get3A_163 : vector<1x16xf32> to vector<16xf32>
        %add3A_165 = arith.addf %get3A_160, %get3A_164 : vector<16xf32>
        %swap3A_166 = arith.index_cast %scan3A_102 : i32 to index
        %swap3A_167 = arith.constant 64 : index
        %swap3A_168 = tpu.vector_load %arg9[%swap3A_166, %swap3A_167] {strides = array<i32>} : memref<128x128xf32, #tpu.memory_space<vmem>>, vector<1x16xf32>,
        %swap3A_169 = vector.shape_cast %swap3A_168 : vector<1x16xf32> to vector<16xf32>
        %swap3A_170 = vector.shape_cast %add3A_165 : vector<16xf32> to vector<1x16xf32>
        tpu.vector_store %arg9[%swap3A_166, %swap3A_167], %swap3A_170 {strides = array<i32>} : memref<128x128xf32, #tpu.memory_space<vmem>>, vector<1x16xf32>,
        %get3A_171 = arith.index_cast %scan3A_102 : i32 to index
        %get3A_172 = arith.constant 80 : index
        %get3A_173 = tpu.vector_load %arg9[%get3A_171, %get3A_172] {strides = array<i32>} : memref<128x128xf32, #tpu.memory_space<vmem>>, vector<1x16xf32>,
        %get3A_174 = vector.shape_cast %get3A_173 : vector<1x16xf32> to vector<16xf32>
        %get3A_175 = arith.index_cast %scan3A_102 : i32 to index
        %get3A_176 = arith.constant 80 : index
        %get3A_177 = tpu.vector_load %arg10[%get3A_175, %get3A_176] {strides = array<i32>} : memref<128x128xf32, #tpu.memory_space<vmem>>, vector<1x16xf32>,
        %get3A_178 = vector.shape_cast %get3A_177 : vector<1x16xf32> to vector<16xf32>
        %add3A_179 = arith.addf %get3A_174, %get3A_178 : vector<16xf32>
        %swap3A_180 = arith.index_cast %scan3A_102 : i32 to index
        %swap3A_181 = arith.constant 80 : index
        %swap3A_182 = tpu.vector_load %arg9[%swap3A_180, %swap3A_181] {strides = array<i32>} : memref<128x128xf32, #tpu.memory_space<vmem>>, vector<1x16xf32>,
        %swap3A_183 = vector.shape_cast %swap3A_182 : vector<1x16xf32> to vector<16xf32>
        %swap3A_184 = vector.shape_cast %add3A_179 : vector<16xf32> to vector<1x16xf32>
        tpu.vector_store %arg9[%swap3A_180, %swap3A_181], %swap3A_184 {strides = array<i32>} : memref<128x128xf32, #tpu.memory_space<vmem>>, vector<1x16xf32>,
        %get3A_185 = arith.index_cast %scan3A_102 : i32 to index
        %get3A_186 = arith.constant 96 : index
        %get3A_187 = tpu.vector_load %arg9[%get3A_185, %get3A_186] {strides = array<i32>} : memref<128x128xf32, #tpu.memory_space<vmem>>, vector<1x16xf32>,
        %get3A_188 = vector.shape_cast %get3A_187 : vector<1x16xf32> to vector<16xf32>
        %get3A_189 = arith.index_cast %scan3A_102 : i32 to index
        %get3A_190 = arith.constant 96 : index
        %get3A_191 = tpu.vector_load %arg10[%get3A_189, %get3A_190] {strides = array<i32>} : memref<128x128xf32, #tpu.memory_space<vmem>>, vector<1x16xf32>,
        %get3A_192 = vector.shape_cast %get3A_191 : vector<1x16xf32> to vector<16xf32>
        %add3A_193 = arith.addf %get3A_188, %get3A_192 : vector<16xf32>
        %swap3A_194 = arith.index_cast %scan3A_102 : i32 to index
        %swap3A_195 = arith.constant 96 : index
        %swap3A_196 = tpu.vector_load %arg9[%swap3A_194, %swap3A_195] {strides = array<i32>} : memref<128x128xf32, #tpu.memory_space<vmem>>, vector<1x16xf32>,
        %swap3A_197 = vector.shape_cast %swap3A_196 : vector<1x16xf32> to vector<16xf32>
        %swap3A_198 = vector.shape_cast %add3A_193 : vector<16xf32> to vector<1x16xf32>
        tpu.vector_store %arg9[%swap3A_194, %swap3A_195], %swap3A_198 {strides = array<i32>} : memref<128x128xf32, #tpu.memory_space<vmem>>, vector<1x16xf32>,
        %get3A_199 = arith.index_cast %scan3A_102 : i32 to index
        %get3A_200 = arith.constant 112 : index
        %get3A_201 = tpu.vector_load %arg9[%get3A_199, %get3A_200] {strides = array<i32>} : memref<128x128xf32, #tpu.memory_space<vmem>>, vector<1x16xf32>,
        %get3A_202 = vector.shape_cast %get3A_201 : vector<1x16xf32> to vector<16xf32>
        %get3A_203 = arith.index_cast %scan3A_102 : i32 to index
        %get3A_204 = arith.constant 112 : index
        %get3A_205 = tpu.vector_load %arg10[%get3A_203, %get3A_204] {strides = array<i32>} : memref<128x128xf32, #tpu.memory_space<vmem>>, vector<1x16xf32>,
        %get3A_206 = vector.shape_cast %get3A_205 : vector<1x16xf32> to vector<16xf32>
        %add3A_207 = arith.addf %get3A_202, %get3A_206 : vector<16xf32>
        %swap3A_208 = arith.index_cast %scan3A_102 : i32 to index
        %swap3A_209 = arith.constant 112 : index
        %swap3A_210 = tpu.vector_load %arg9[%swap3A_208, %swap3A_209] {strides = array<i32>} : memref<128x128xf32, #tpu.memory_space<vmem>>, vector<1x16xf32>,
        %swap3A_211 = vector.shape_cast %swap3A_210 : vector<1x16xf32> to vector<16xf32>
        %swap3A_212 = vector.shape_cast %add3A_207 : vector<16xf32> to vector<1x16xf32>
        tpu.vector_store %arg9[%swap3A_208, %swap3A_209], %swap3A_212 {strides = array<i32>} : memref<128x128xf32, #tpu.memory_space<vmem>>, vector<1x16xf32>,
      }
      %scan3A_58 = arith.constant 128 : i32
      %add3A_59 = arith.addi %mul3A_2, %add3A_36 : i32
      %mul3A_60 = arith.constant 128 : i32
      %mul3A_61 = arith.muli %add3A_59, %mul3A_60 : i32
      %dma_start3A_62 = arith.constant 0 : i32
      %dma_start3A_63 = tpu.memref_slice %arg6[%mul3A_61, %dma_start3A_62] : memref<81920x128xf32, #tpu.memory_space<hbm>> -> memref<128x128xf32, #tpu.memory_space<hbm>>
      %dma_start3A_64 = arith.constant 0 : i32
      %dma_start3A_65 = tpu.memref_slice %arg6[%mul3A_61, %dma_start3A_64] : memref<81920x128xf32, #tpu.memory_space<hbm>> -> memref<128x128xf32, #tpu.memory_space<hbm>>
      tpu.enqueue_dma source(%arg9 : memref<128x128xf32, #tpu.memory_space<vmem>>) target(%dma_start3A_65 : memref<128x128xf32, #tpu.memory_space<hbm>>) target_semaphore(%arg15 : memref<!tpu.dma_semaphore, #tpu.memory_space<semaphore_mem>>)
      %mul3A_66 = arith.constant 2 : i32
      %mul3A_67 = arith.muli %mul3A_66, %scan3A_32 : i32
      %add3A_68 = arith.constant 1 : i32
      %add3A_69 = arith.addi %mul3A_67, %add3A_68 : i32
      %add3A_70 = arith.constant 1 : i32
      %add3A_71 = arith.addi %add3A_69, %add3A_70 : i32
      %lt3A_72 = arith.constant 20 : i32
      %lt3A_73 = arith.cmpi slt, %add3A_71, %lt3A_72 : i32
      %convert_element_type3A_74 = arith.extui %lt3A_73 : i1 to i32
      %cond3A_75 = arith.constant 0 : i32
      %cond3A_76 = arith.cmpi ne, %convert_element_type3A_74, %cond3A_75 : i32
      scf.if %cond3A_76 {
        %ge3A = arith.constant 1 : i32
        %ge3A_102 = arith.cmpi sge, %add3A_69, %ge3A : i32
        %convert_element_type3A_103 = arith.extui %ge3A_102 : i1 to i32
        %cond3A_104 = arith.constant 0 : i32
        %cond3A_105 = arith.cmpi ne, %convert_element_type3A_103, %cond3A_104 : i32
        scf.if %cond3A_105 {
          %dma_wait3A_120 = arith.constant 0 : i32
          %dma_wait3A_121 = arith.constant 0 : i32
          %dma_wait3A_122 = tpu.memref_slice %arg6[%dma_wait3A_120, %dma_wait3A_121] : memref<81920x128xf32, #tpu.memory_space<hbm>> -> memref<128x128xf32, #tpu.memory_space<hbm>>
          %dma_wait3A_123 = arith.constant 0 : i32
          %dma_wait3A_124 = arith.constant 0 : i32
          %dma_wait3A_125 = tpu.memref_slice %arg6[%dma_wait3A_123, %dma_wait3A_124] : memref<81920x128xf32, #tpu.memory_space<hbm>> -> memref<128x128xf32, #tpu.memory_space<hbm>>
          tpu.wait_dma2 semaphore(%arg15 : memref<!tpu.dma_semaphore, #tpu.memory_space<semaphore_mem>>) src(%arg9 : memref<128x128xf32, #tpu.memory_space<vmem>>) dst(%dma_wait3A_125 : memref<128x128xf32, #tpu.memory_space<hbm>>)
        } else {
        }
        %add3A_106 = arith.constant 1 : i32
        %add3A_107 = arith.addi %add3A_69, %add3A_106 : i32
        %dma_start3A_108 = arith.constant 0 : i32
        %dma_start3A_109 = tpu.memref_slice %arg7[%add3A_107, %dma_start3A_108] : memref<20x128xi32, #tpu.memory_space<vmem>> -> memref<1x128xi32, #tpu.memory_space<vmem>>
        %dma_start3A_110 = tpu.memref_squeeze %dma_start3A_109 : memref<1x128xi32, #tpu.memory_space<vmem>> -> memref<128xi32, #tpu.memory_space<vmem>>
        %dma_start3A_111 = arith.constant 0 : i32
        %dma_start3A_112 = arith.constant 0 : i32
        %dma_start3A_113 = tpu.memref_slice %arg2[%dma_start3A_111, %dma_start3A_112] : memref<10000x128xf32, #tpu.memory_space<hbm>> -> memref<10000x128xf32, #tpu.memory_space<hbm>>
        tpu.enqueue_indirect_dma source(%dma_start3A_113 : memref<10000x128xf32, #tpu.memory_space<hbm>>) target(%arg9 : memref<128x128xf32, #tpu.memory_space<vmem>>) offsets(%dma_start3A_110 : memref<128xi32, #tpu.memory_space<vmem>>) semaphore(%arg13 : memref<!tpu.dma_semaphore, #tpu.memory_space<semaphore_mem>>)
        %dma_start3A_114 = arith.constant 0 : i32
        %dma_start3A_115 = tpu.memref_slice %arg8[%add3A_107, %dma_start3A_114] : memref<20x128xi32, #tpu.memory_space<vmem>> -> memref<1x128xi32, #tpu.memory_space<vmem>>
        %dma_start3A_116 = tpu.memref_squeeze %dma_start3A_115 : memref<1x128xi32, #tpu.memory_space<vmem>> -> memref<128xi32, #tpu.memory_space<vmem>>
        %dma_start3A_117 = arith.constant 0 : i32
        %dma_start3A_118 = arith.constant 0 : i32
        %dma_start3A_119 = tpu.memref_slice %arg3[%dma_start3A_117, %dma_start3A_118] : memref<10000x128xf32, #tpu.memory_space<hbm>> -> memref<10000x128xf32, #tpu.memory_space<hbm>>
        tpu.enqueue_indirect_dma source(%dma_start3A_119 : memref<10000x128xf32, #tpu.memory_space<hbm>>) target(%arg10 : memref<128x128xf32, #tpu.memory_space<vmem>>) offsets(%dma_start3A_116 : memref<128xi32, #tpu.memory_space<vmem>>) semaphore(%arg13 : memref<!tpu.dma_semaphore, #tpu.memory_space<semaphore_mem>>)
      } else {
      }
      %dma_wait3A_77 = arith.constant 0 : i32
      %dma_wait3A_78 = arith.constant 0 : i32
      %dma_wait3A_79 = tpu.memref_slice %arg2[%dma_wait3A_77, %dma_wait3A_78] : memref<10000x128xf32, #tpu.memory_space<hbm>> -> memref<128x128xf32, #tpu.memory_space<hbm>>
      %dma_wait3A_80 = arith.constant 0 : i32
      %dma_wait3A_81 = arith.constant 0 : i32
      %dma_wait3A_82 = tpu.memref_slice %arg2[%dma_wait3A_80, %dma_wait3A_81] : memref<10000x128xf32, #tpu.memory_space<hbm>> -> memref<128x128xf32, #tpu.memory_space<hbm>>
      tpu.wait_dma2 semaphore(%arg14 : memref<!tpu.dma_semaphore, #tpu.memory_space<semaphore_mem>>) src(%dma_wait3A_82 : memref<128x128xf32, #tpu.memory_space<hbm>>) dst(%arg11 : memref<128x128xf32, #tpu.memory_space<vmem>>)
      %dma_wait3A_83 = arith.constant 0 : i32
      %dma_wait3A_84 = arith.constant 0 : i32
      %dma_wait3A_85 = tpu.memref_slice %arg3[%dma_wait3A_83, %dma_wait3A_84] : memref<10000x128xf32, #tpu.memory_space<hbm>> -> memref<128x128xf32, #tpu.memory_space<hbm>>
      %dma_wait3A_86 = arith.constant 0 : i32
      %dma_wait3A_87 = arith.constant 0 : i32
      %dma_wait3A_88 = tpu.memref_slice %arg3[%dma_wait3A_86, %dma_wait3A_87] : memref<10000x128xf32, #tpu.memory_space<hbm>> -> memref<128x128xf32, #tpu.memory_space<hbm>>
      tpu.wait_dma2 semaphore(%arg14 : memref<!tpu.dma_semaphore, #tpu.memory_space<semaphore_mem>>) src(%dma_wait3A_88 : memref<128x128xf32, #tpu.memory_space<hbm>>) dst(%arg12 : memref<128x128xf32, #tpu.memory_space<vmem>>)
      %scan3A_89 = arith.constant 0 : i32
      %scan3A_90 = arith.constant 0 : i32
      %scan3A_91 = arith.constant 128 : i32
      %scan3A_92 = arith.addi %scan3A_90, %scan3A_91 : i32
      %scan3A_93 = arith.constant 1 : i32
      scf.for %scan3A_102 = %scan3A_90 to %scan3A_92 step %scan3A_93  : i32 {
        %get3A = arith.index_cast %scan3A_102 : i32 to index
        %get3A_103 = arith.constant 0 : index
        %get3A_104 = tpu.vector_load %arg11[%get3A, %get3A_103] {strides = array<i32>} : memref<128x128xf32, #tpu.memory_space<vmem>>, vector<1x16xf32>,
        %get3A_105 = vector.shape_cast %get3A_104 : vector<1x16xf32> to vector<16xf32>
        %get3A_106 = arith.index_cast %scan3A_102 : i32 to index
        %get3A_107 = arith.constant 0 : index
        %get3A_108 = tpu.vector_load %arg12[%get3A_106, %get3A_107] {strides = array<i32>} : memref<128x128xf32, #tpu.memory_space<vmem>>, vector<1x16xf32>,
        %get3A_109 = vector.shape_cast %get3A_108 : vector<1x16xf32> to vector<16xf32>
        %add3A_110 = arith.addf %get3A_105, %get3A_109 : vector<16xf32>
        %swap3A = arith.index_cast %scan3A_102 : i32 to index
        %swap3A_111 = arith.constant 0 : index
        %swap3A_112 = tpu.vector_load %arg11[%swap3A, %swap3A_111] {strides = array<i32>} : memref<128x128xf32, #tpu.memory_space<vmem>>, vector<1x16xf32>,
        %swap3A_113 = vector.shape_cast %swap3A_112 : vector<1x16xf32> to vector<16xf32>
        %swap3A_114 = vector.shape_cast %add3A_110 : vector<16xf32> to vector<1x16xf32>
        tpu.vector_store %arg11[%swap3A, %swap3A_111], %swap3A_114 {strides = array<i32>} : memref<128x128xf32, #tpu.memory_space<vmem>>, vector<1x16xf32>,
        %get3A_115 = arith.index_cast %scan3A_102 : i32 to index
        %get3A_116 = arith.constant 16 : index
        %get3A_117 = tpu.vector_load %arg11[%get3A_115, %get3A_116] {strides = array<i32>} : memref<128x128xf32, #tpu.memory_space<vmem>>, vector<1x16xf32>,
        %get3A_118 = vector.shape_cast %get3A_117 : vector<1x16xf32> to vector<16xf32>
        %get3A_119 = arith.index_cast %scan3A_102 : i32 to index
        %get3A_120 = arith.constant 16 : index
        %get3A_121 = tpu.vector_load %arg12[%get3A_119, %get3A_120] {strides = array<i32>} : memref<128x128xf32, #tpu.memory_space<vmem>>, vector<1x16xf32>,
        %get3A_122 = vector.shape_cast %get3A_121 : vector<1x16xf32> to vector<16xf32>
        %add3A_123 = arith.addf %get3A_118, %get3A_122 : vector<16xf32>
        %swap3A_124 = arith.index_cast %scan3A_102 : i32 to index
        %swap3A_125 = arith.constant 16 : index
        %swap3A_126 = tpu.vector_load %arg11[%swap3A_124, %swap3A_125] {strides = array<i32>} : memref<128x128xf32, #tpu.memory_space<vmem>>, vector<1x16xf32>,
        %swap3A_127 = vector.shape_cast %swap3A_126 : vector<1x16xf32> to vector<16xf32>
        %swap3A_128 = vector.shape_cast %add3A_123 : vector<16xf32> to vector<1x16xf32>
        tpu.vector_store %arg11[%swap3A_124, %swap3A_125], %swap3A_128 {strides = array<i32>} : memref<128x128xf32, #tpu.memory_space<vmem>>, vector<1x16xf32>,
        %get3A_129 = arith.index_cast %scan3A_102 : i32 to index
        %get3A_130 = arith.constant 32 : index
        %get3A_131 = tpu.vector_load %arg11[%get3A_129, %get3A_130] {strides = array<i32>} : memref<128x128xf32, #tpu.memory_space<vmem>>, vector<1x16xf32>,
        %get3A_132 = vector.shape_cast %get3A_131 : vector<1x16xf32> to vector<16xf32>
        %get3A_133 = arith.index_cast %scan3A_102 : i32 to index
        %get3A_134 = arith.constant 32 : index
        %get3A_135 = tpu.vector_load %arg12[%get3A_133, %get3A_134] {strides = array<i32>} : memref<128x128xf32, #tpu.memory_space<vmem>>, vector<1x16xf32>,
        %get3A_136 = vector.shape_cast %get3A_135 : vector<1x16xf32> to vector<16xf32>
        %add3A_137 = arith.addf %get3A_132, %get3A_136 : vector<16xf32>
        %swap3A_138 = arith.index_cast %scan3A_102 : i32 to index
        %swap3A_139 = arith.constant 32 : index
        %swap3A_140 = tpu.vector_load %arg11[%swap3A_138, %swap3A_139] {strides = array<i32>} : memref<128x128xf32, #tpu.memory_space<vmem>>, vector<1x16xf32>,
        %swap3A_141 = vector.shape_cast %swap3A_140 : vector<1x16xf32> to vector<16xf32>
        %swap3A_142 = vector.shape_cast %add3A_137 : vector<16xf32> to vector<1x16xf32>
        tpu.vector_store %arg11[%swap3A_138, %swap3A_139], %swap3A_142 {strides = array<i32>} : memref<128x128xf32, #tpu.memory_space<vmem>>, vector<1x16xf32>,
        %get3A_143 = arith.index_cast %scan3A_102 : i32 to index
        %get3A_144 = arith.constant 48 : index
        %get3A_145 = tpu.vector_load %arg11[%get3A_143, %get3A_144] {strides = array<i32>} : memref<128x128xf32, #tpu.memory_space<vmem>>, vector<1x16xf32>,
        %get3A_146 = vector.shape_cast %get3A_145 : vector<1x16xf32> to vector<16xf32>
        %get3A_147 = arith.index_cast %scan3A_102 : i32 to index
        %get3A_148 = arith.constant 48 : index
        %get3A_149 = tpu.vector_load %arg12[%get3A_147, %get3A_148] {strides = array<i32>} : memref<128x128xf32, #tpu.memory_space<vmem>>, vector<1x16xf32>,
        %get3A_150 = vector.shape_cast %get3A_149 : vector<1x16xf32> to vector<16xf32>
        %add3A_151 = arith.addf %get3A_146, %get3A_150 : vector<16xf32>
        %swap3A_152 = arith.index_cast %scan3A_102 : i32 to index
        %swap3A_153 = arith.constant 48 : index
        %swap3A_154 = tpu.vector_load %arg11[%swap3A_152, %swap3A_153] {strides = array<i32>} : memref<128x128xf32, #tpu.memory_space<vmem>>, vector<1x16xf32>,
        %swap3A_155 = vector.shape_cast %swap3A_154 : vector<1x16xf32> to vector<16xf32>
        %swap3A_156 = vector.shape_cast %add3A_151 : vector<16xf32> to vector<1x16xf32>
        tpu.vector_store %arg11[%swap3A_152, %swap3A_153], %swap3A_156 {strides = array<i32>} : memref<128x128xf32, #tpu.memory_space<vmem>>, vector<1x16xf32>,
        %get3A_157 = arith.index_cast %scan3A_102 : i32 to index
        %get3A_158 = arith.constant 64 : index
        %get3A_159 = tpu.vector_load %arg11[%get3A_157, %get3A_158] {strides = array<i32>} : memref<128x128xf32, #tpu.memory_space<vmem>>, vector<1x16xf32>,
        %get3A_160 = vector.shape_cast %get3A_159 : vector<1x16xf32> to vector<16xf32>
        %get3A_161 = arith.index_cast %scan3A_102 : i32 to index
        %get3A_162 = arith.constant 64 : index
        %get3A_163 = tpu.vector_load %arg12[%get3A_161, %get3A_162] {strides = array<i32>} : memref<128x128xf32, #tpu.memory_space<vmem>>, vector<1x16xf32>,
        %get3A_164 = vector.shape_cast %get3A_163 : vector<1x16xf32> to vector<16xf32>
        %add3A_165 = arith.addf %get3A_160, %get3A_164 : vector<16xf32>
        %swap3A_166 = arith.index_cast %scan3A_102 : i32 to index
        %swap3A_167 = arith.constant 64 : index
        %swap3A_168 = tpu.vector_load %arg11[%swap3A_166, %swap3A_167] {strides = array<i32>} : memref<128x128xf32, #tpu.memory_space<vmem>>, vector<1x16xf32>,
        %swap3A_169 = vector.shape_cast %swap3A_168 : vector<1x16xf32> to vector<16xf32>
        %swap3A_170 = vector.shape_cast %add3A_165 : vector<16xf32> to vector<1x16xf32>
        tpu.vector_store %arg11[%swap3A_166, %swap3A_167], %swap3A_170 {strides = array<i32>} : memref<128x128xf32, #tpu.memory_space<vmem>>, vector<1x16xf32>,
        %get3A_171 = arith.index_cast %scan3A_102 : i32 to index
        %get3A_172 = arith.constant 80 : index
        %get3A_173 = tpu.vector_load %arg11[%get3A_171, %get3A_172] {strides = array<i32>} : memref<128x128xf32, #tpu.memory_space<vmem>>, vector<1x16xf32>,
        %get3A_174 = vector.shape_cast %get3A_173 : vector<1x16xf32> to vector<16xf32>
        %get3A_175 = arith.index_cast %scan3A_102 : i32 to index
        %get3A_176 = arith.constant 80 : index
        %get3A_177 = tpu.vector_load %arg12[%get3A_175, %get3A_176] {strides = array<i32>} : memref<128x128xf32, #tpu.memory_space<vmem>>, vector<1x16xf32>,
        %get3A_178 = vector.shape_cast %get3A_177 : vector<1x16xf32> to vector<16xf32>
        %add3A_179 = arith.addf %get3A_174, %get3A_178 : vector<16xf32>
        %swap3A_180 = arith.index_cast %scan3A_102 : i32 to index
        %swap3A_181 = arith.constant 80 : index
        %swap3A_182 = tpu.vector_load %arg11[%swap3A_180, %swap3A_181] {strides = array<i32>} : memref<128x128xf32, #tpu.memory_space<vmem>>, vector<1x16xf32>,
        %swap3A_183 = vector.shape_cast %swap3A_182 : vector<1x16xf32> to vector<16xf32>
        %swap3A_184 = vector.shape_cast %add3A_179 : vector<16xf32> to vector<1x16xf32>
        tpu.vector_store %arg11[%swap3A_180, %swap3A_181], %swap3A_184 {strides = array<i32>} : memref<128x128xf32, #tpu.memory_space<vmem>>, vector<1x16xf32>,
        %get3A_185 = arith.index_cast %scan3A_102 : i32 to index
        %get3A_186 = arith.constant 96 : index
        %get3A_187 = tpu.vector_load %arg11[%get3A_185, %get3A_186] {strides = array<i32>} : memref<128x128xf32, #tpu.memory_space<vmem>>, vector<1x16xf32>,
        %get3A_188 = vector.shape_cast %get3A_187 : vector<1x16xf32> to vector<16xf32>
        %get3A_189 = arith.index_cast %scan3A_102 : i32 to index
        %get3A_190 = arith.constant 96 : index
        %get3A_191 = tpu.vector_load %arg12[%get3A_189, %get3A_190] {strides = array<i32>} : memref<128x128xf32, #tpu.memory_space<vmem>>, vector<1x16xf32>,
        %get3A_192 = vector.shape_cast %get3A_191 : vector<1x16xf32> to vector<16xf32>
        %add3A_193 = arith.addf %get3A_188, %get3A_192 : vector<16xf32>
        %swap3A_194 = arith.index_cast %scan3A_102 : i32 to index
        %swap3A_195 = arith.constant 96 : index
        %swap3A_196 = tpu.vector_load %arg11[%swap3A_194, %swap3A_195] {strides = array<i32>} : memref<128x128xf32, #tpu.memory_space<vmem>>, vector<1x16xf32>,
        %swap3A_197 = vector.shape_cast %swap3A_196 : vector<1x16xf32> to vector<16xf32>
        %swap3A_198 = vector.shape_cast %add3A_193 : vector<16xf32> to vector<1x16xf32>
        tpu.vector_store %arg11[%swap3A_194, %swap3A_195], %swap3A_198 {strides = array<i32>} : memref<128x128xf32, #tpu.memory_space<vmem>>, vector<1x16xf32>,
        %get3A_199 = arith.index_cast %scan3A_102 : i32 to index
        %get3A_200 = arith.constant 112 : index
        %get3A_201 = tpu.vector_load %arg11[%get3A_199, %get3A_200] {strides = array<i32>} : memref<128x128xf32, #tpu.memory_space<vmem>>, vector<1x16xf32>,
        %get3A_202 = vector.shape_cast %get3A_201 : vector<1x16xf32> to vector<16xf32>
        %get3A_203 = arith.index_cast %scan3A_102 : i32 to index
        %get3A_204 = arith.constant 112 : index
        %get3A_205 = tpu.vector_load %arg12[%get3A_203, %get3A_204] {strides = array<i32>} : memref<128x128xf32, #tpu.memory_space<vmem>>, vector<1x16xf32>,
        %get3A_206 = vector.shape_cast %get3A_205 : vector<1x16xf32> to vector<16xf32>
        %add3A_207 = arith.addf %get3A_202, %get3A_206 : vector<16xf32>
        %swap3A_208 = arith.index_cast %scan3A_102 : i32 to index
        %swap3A_209 = arith.constant 112 : index
        %swap3A_210 = tpu.vector_load %arg11[%swap3A_208, %swap3A_209] {strides = array<i32>} : memref<128x128xf32, #tpu.memory_space<vmem>>, vector<1x16xf32>,
        %swap3A_211 = vector.shape_cast %swap3A_210 : vector<1x16xf32> to vector<16xf32>
        %swap3A_212 = vector.shape_cast %add3A_207 : vector<16xf32> to vector<1x16xf32>
        tpu.vector_store %arg11[%swap3A_208, %swap3A_209], %swap3A_212 {strides = array<i32>} : memref<128x128xf32, #tpu.memory_space<vmem>>, vector<1x16xf32>,
      }
      %scan3A_94 = arith.constant 128 : i32
      %add3A_95 = arith.addi %mul3A_2, %add3A_69 : i32
      %mul3A_96 = arith.constant 128 : i32
      %mul3A_97 = arith.muli %add3A_95, %mul3A_96 : i32
      %dma_start3A_98 = arith.constant 0 : i32
      %dma_start3A_99 = tpu.memref_slice %arg6[%mul3A_97, %dma_start3A_98] : memref<81920x128xf32, #tpu.memory_space<hbm>> -> memref<128x128xf32, #tpu.memory_space<hbm>>
      %dma_start3A_100 = arith.constant 0 : i32
      %dma_start3A_101 = tpu.memref_slice %arg6[%mul3A_97, %dma_start3A_100] : memref<81920x128xf32, #tpu.memory_space<hbm>> -> memref<128x128xf32, #tpu.memory_space<hbm>>
      tpu.enqueue_dma source(%arg11 : memref<128x128xf32, #tpu.memory_space<vmem>>) target(%dma_start3A_101 : memref<128x128xf32, #tpu.memory_space<hbm>>) target_semaphore(%arg16 : memref<!tpu.dma_semaphore, #tpu.memory_space<semaphore_mem>>)
    }
    %scan3A_20 = arith.constant 10 : i32
    %dma_wait3A = arith.constant 0 : i32
    %dma_wait3A_21 = arith.constant 0 : i32
    %dma_wait3A_22 = tpu.memref_slice %arg6[%dma_wait3A, %dma_wait3A_21] : memref<81920x128xf32, #tpu.memory_space<hbm>> -> memref<128x128xf32, #tpu.memory_space<hbm>>
    %dma_wait3A_23 = arith.constant 0 : i32
    %dma_wait3A_24 = arith.constant 0 : i32
    %dma_wait3A_25 = tpu.memref_slice %arg6[%dma_wait3A_23, %dma_wait3A_24] : memref<81920x128xf32, #tpu.memory_space<hbm>> -> memref<128x128xf32, #tpu.memory_space<hbm>>
    tpu.wait_dma2 semaphore(%arg15 : memref<!tpu.dma_semaphore, #tpu.memory_space<semaphore_mem>>) src(%arg9 : memref<128x128xf32, #tpu.memory_space<vmem>>) dst(%dma_wait3A_25 : memref<128x128xf32, #tpu.memory_space<hbm>>)
    %dma_wait3A_26 = arith.constant 0 : i32
    %dma_wait3A_27 = arith.constant 0 : i32
    %dma_wait3A_28 = tpu.memref_slice %arg6[%dma_wait3A_26, %dma_wait3A_27] : memref<81920x128xf32, #tpu.memory_space<hbm>> -> memref<128x128xf32, #tpu.memory_space<hbm>>
    %dma_wait3A_29 = arith.constant 0 : i32
    %dma_wait3A_30 = arith.constant 0 : i32
    %dma_wait3A_31 = tpu.memref_slice %arg6[%dma_wait3A_29, %dma_wait3A_30] : memref<81920x128xf32, #tpu.memory_space<hbm>> -> memref<128x128xf32, #tpu.memory_space<hbm>>
    tpu.wait_dma2 semaphore(%arg16 : memref<!tpu.dma_semaphore, #tpu.memory_space<semaphore_mem>>) src(%arg11 : memref<128x128xf32, #tpu.memory_space<vmem>>) dst(%dma_wait3A_31 : memref<128x128xf32, #tpu.memory_space<hbm>>)
    return
  }
}

#map = affine_map<(d0, d1) -> (0, 0)>
#map1 = affine_map<(d0, d1) -> (0, 0, 0)>
module attributes {stable_mosaic.version = 14 : i64} {
  func.func @_sc_body(%arg0: i32, %arg1: i32, %arg2: memref<10000x128xf32, #tpu.memory_space<hbm>>, %arg3: memref<10000x128xf32, #tpu.memory_space<hbm>>, %arg4: memref<32x20x128xi32, #tpu.memory_space<hbm>>, %arg5: memref<32x20x128xi32, #tpu.memory_space<hbm>>, %arg6: memref<81920x128xf32, #tpu.memory_space<hbm>>, %arg7: memref<20x128xi32, #tpu.memory_space<vmem>>, %arg8: memref<20x128xi32, #tpu.memory_space<vmem>>, %arg9: memref<128x128xf32, #tpu.memory_space<vmem>>, %arg10: memref<128x128xf32, #tpu.memory_space<vmem>>, %arg11: memref<128x128xf32, #tpu.memory_space<vmem>>, %arg12: memref<128x128xf32, #tpu.memory_space<vmem>>, %arg13: memref<!tpu.dma_semaphore, #tpu.memory_space<semaphore_mem>>, %arg14: memref<!tpu.dma_semaphore, #tpu.memory_space<semaphore_mem>>, %arg15: memref<!tpu.dma_semaphore, #tpu.memory_space<semaphore_mem>>, %arg16: memref<!tpu.dma_semaphore, #tpu.memory_space<semaphore_mem>>) attributes {dimension_semantics = [#tpu.dimension_semantics<core_parallel>, #tpu.dimension_semantics<subcore_parallel>], iteration_bounds = array<i64: 2, 16>, scalar_prefetch = 0 : i64, scratch_operands = 10 : i64, tpu.core_type = #tpu.core_type<sc_vector_subcore>, window_params = [{transform_indices = #map}, {transform_indices = #map}, {transform_indices = #map1}, {transform_indices = #map1}, {transform_indices = #map}]} {
    %mul3A = arith.constant 2 : i32
    %mul3A_0 = arith.muli %arg1, %mul3A : i32
    %add3A = arith.addi %mul3A_0, %arg0 : i32
    %mul3A_1 = arith.constant 20 : i32
    %mul3A_2 = arith.muli %add3A, %mul3A_1 : i32
    "tpu.region"() ({
      %run_scoped3A = tpu.sem_alloc : memref<!tpu.dma_semaphore, #tpu.memory_space<semaphore_mem>>
      %dma_start3A_32 = arith.constant 0 : i32
      %dma_start3A_33 = arith.constant 0 : i32
      %dma_start3A_34 = tpu.memref_slice %arg4[%add3A, %dma_start3A_32, %dma_start3A_33] : memref<32x20x128xi32, #tpu.memory_space<hbm>> -> memref<1x20x128xi32, #tpu.memory_space<hbm>>
      %dma_start3A_35 = tpu.memref_squeeze %dma_start3A_34 : memref<1x20x128xi32, #tpu.memory_space<hbm>> -> memref<20x128xi32, #tpu.memory_space<hbm>>
      %dma_start3A_36 = arith.constant 0 : i32
      %dma_start3A_37 = arith.constant 0 : i32
      %dma_start3A_38 = tpu.memref_slice %arg4[%add3A, %dma_start3A_36, %dma_start3A_37] : memref<32x20x128xi32, #tpu.memory_space<hbm>> -> memref<1x20x128xi32, #tpu.memory_space<hbm>>
      %dma_start3A_39 = tpu.memref_squeeze %dma_start3A_38 : memref<1x20x128xi32, #tpu.memory_space<hbm>> -> memref<20x128xi32, #tpu.memory_space<hbm>>
      tpu.enqueue_dma source(%dma_start3A_39 : memref<20x128xi32, #tpu.memory_space<hbm>>) target(%arg7 : memref<20x128xi32, #tpu.memory_space<vmem>>) target_semaphore(%run_scoped3A : memref<!tpu.dma_semaphore, #tpu.memory_space<semaphore_mem>>)
      %dma_wait3A_40 = arith.constant 0 : i32
      %dma_wait3A_41 = arith.constant 0 : i32
      %dma_wait3A_42 = tpu.memref_slice %arg4[%add3A, %dma_wait3A_40, %dma_wait3A_41] : memref<32x20x128xi32, #tpu.memory_space<hbm>> -> memref<1x20x128xi32, #tpu.memory_space<hbm>>
      %dma_wait3A_43 = tpu.memref_squeeze %dma_wait3A_42 : memref<1x20x128xi32, #tpu.memory_space<hbm>> -> memref<20x128xi32, #tpu.memory_space<hbm>>
      %dma_wait3A_44 = arith.constant 0 : i32
      %dma_wait3A_45 = arith.constant 0 : i32
      %dma_wait3A_46 = tpu.memref_slice %arg4[%add3A, %dma_wait3A_44, %dma_wait3A_45] : memref<32x20x128xi32, #tpu.memory_space<hbm>> -> memref<1x20x128xi32, #tpu.memory_space<hbm>>
      %dma_wait3A_47 = tpu.memref_squeeze %dma_wait3A_46 : memref<1x20x128xi32, #tpu.memory_space<hbm>> -> memref<20x128xi32, #tpu.memory_space<hbm>>
      tpu.wait_dma2 semaphore(%run_scoped3A : memref<!tpu.dma_semaphore, #tpu.memory_space<semaphore_mem>>) src(%dma_wait3A_47 : memref<20x128xi32, #tpu.memory_space<hbm>>) dst(%arg7 : memref<20x128xi32, #tpu.memory_space<vmem>>)
      tpu.yield
    }) : () -> ()
    "tpu.region"() ({
      %run_scoped3A = tpu.sem_alloc : memref<!tpu.dma_semaphore, #tpu.memory_space<semaphore_mem>>
      %dma_start3A_32 = arith.constant 0 : i32
      %dma_start3A_33 = arith.constant 0 : i32
      %dma_start3A_34 = tpu.memref_slice %arg5[%add3A, %dma_start3A_32, %dma_start3A_33] : memref<32x20x128xi32, #tpu.memory_space<hbm>> -> memref<1x20x128xi32, #tpu.memory_space<hbm>>
      %dma_start3A_35 = tpu.memref_squeeze %dma_start3A_34 : memref<1x20x128xi32, #tpu.memory_space<hbm>> -> memref<20x128xi32, #tpu.memory_space<hbm>>
      %dma_start3A_36 = arith.constant 0 : i32
      %dma_start3A_37 = arith.constant 0 : i32
      %dma_start3A_38 = tpu.memref_slice %arg5[%add3A, %dma_start3A_36, %dma_start3A_37] : memref<32x20x128xi32, #tpu.memory_space<hbm>> -> memref<1x20x128xi32, #tpu.memory_space<hbm>>
      %dma_start3A_39 = tpu.memref_squeeze %dma_start3A_38 : memref<1x20x128xi32, #tpu.memory_space<hbm>> -> memref<20x128xi32, #tpu.memory_space<hbm>>
      tpu.enqueue_dma source(%dma_start3A_39 : memref<20x128xi32, #tpu.memory_space<hbm>>) target(%arg8 : memref<20x128xi32, #tpu.memory_space<vmem>>) target_semaphore(%run_scoped3A : memref<!tpu.dma_semaphore, #tpu.memory_space<semaphore_mem>>)
      %dma_wait3A_40 = arith.constant 0 : i32
      %dma_wait3A_41 = arith.constant 0 : i32
      %dma_wait3A_42 = tpu.memref_slice %arg5[%add3A, %dma_wait3A_40, %dma_wait3A_41] : memref<32x20x128xi32, #tpu.memory_space<hbm>> -> memref<1x20x128xi32, #tpu.memory_space<hbm>>
      %dma_wait3A_43 = tpu.memref_squeeze %dma_wait3A_42 : memref<1x20x128xi32, #tpu.memory_space<hbm>> -> memref<20x128xi32, #tpu.memory_space<hbm>>
      %dma_wait3A_44 = arith.constant 0 : i32
      %dma_wait3A_45 = arith.constant 0 : i32
      %dma_wait3A_46 = tpu.memref_slice %arg5[%add3A, %dma_wait3A_44, %dma_wait3A_45] : memref<32x20x128xi32, #tpu.memory_space<hbm>> -> memref<1x20x128xi32, #tpu.memory_space<hbm>>
      %dma_wait3A_47 = tpu.memref_squeeze %dma_wait3A_46 : memref<1x20x128xi32, #tpu.memory_space<hbm>> -> memref<20x128xi32, #tpu.memory_space<hbm>>
      tpu.wait_dma2 semaphore(%run_scoped3A : memref<!tpu.dma_semaphore, #tpu.memory_space<semaphore_mem>>) src(%dma_wait3A_47 : memref<20x128xi32, #tpu.memory_space<hbm>>) dst(%arg8 : memref<20x128xi32, #tpu.memory_space<vmem>>)
      tpu.yield
    }) : () -> ()
    %dma_start3A = arith.constant 0 : i32
    %dma_start3A_3 = arith.constant 0 : i32
    %dma_start3A_4 = tpu.memref_slice %arg7[%dma_start3A, %dma_start3A_3] : memref<20x128xi32, #tpu.memory_space<vmem>> -> memref<1x128xi32, #tpu.memory_space<vmem>>
    %dma_start3A_5 = tpu.memref_squeeze %dma_start3A_4 : memref<1x128xi32, #tpu.memory_space<vmem>> -> memref<128xi32, #tpu.memory_space<vmem>>
    %dma_start3A_6 = arith.constant 0 : i32
    %dma_start3A_7 = arith.constant 0 : i32
    %dma_start3A_8 = tpu.memref_slice %arg2[%dma_start3A_6, %dma_start3A_7] : memref<10000x128xf32, #tpu.memory_space<hbm>> -> memref<10000x128xf32, #tpu.memory_space<hbm>>
    tpu.enqueue_indirect_dma source(%dma_start3A_8 : memref<10000x128xf32, #tpu.memory_space<hbm>>) target(%arg9 : memref<128x128xf32, #tpu.memory_space<vmem>>) offsets(%dma_start3A_5 : memref<128xi32, #tpu.memory_space<vmem>>) semaphore(%arg13 : memref<!tpu.dma_semaphore, #tpu.memory_space<semaphore_mem>>)
    %dma_start3A_9 = arith.constant 0 : i32
    %dma_start3A_10 = arith.constant 0 : i32
    %dma_start3A_11 = tpu.memref_slice %arg8[%dma_start3A_9, %dma_start3A_10] : memref<20x128xi32, #tpu.memory_space<vmem>> -> memref<1x128xi32, #tpu.memory_space<vmem>>
    %dma_start3A_12 = tpu.memref_squeeze %dma_start3A_11 : memref<1x128xi32, #tpu.memory_space<vmem>> -> memref<128xi32, #tpu.memory_space<vmem>>
    %dma_start3A_13 = arith.constant 0 : i32
    %dma_start3A_14 = arith.constant 0 : i32
    %dma_start3A_15 = tpu.memref_slice %arg3[%dma_start3A_13, %dma_start3A_14] : memref<10000x128xf32, #tpu.memory_space<hbm>> -> memref<10000x128xf32, #tpu.memory_space<hbm>>
    tpu.enqueue_indirect_dma source(%dma_start3A_15 : memref<10000x128xf32, #tpu.memory_space<hbm>>) target(%arg10 : memref<128x128xf32, #tpu.memory_space<vmem>>) offsets(%dma_start3A_12 : memref<128xi32, #tpu.memory_space<vmem>>) semaphore(%arg13 : memref<!tpu.dma_semaphore, #tpu.memory_space<semaphore_mem>>)
    %scan3A = arith.constant 0 : i32
    %scan3A_16 = arith.constant 0 : i32
    %scan3A_17 = arith.constant 10 : i32
    %scan3A_18 = arith.addi %scan3A_16, %scan3A_17 : i32
    %scan3A_19 = arith.constant 1 : i32
    scf.for %scan3A_32 = %scan3A_16 to %scan3A_18 step %scan3A_19  : i32 {
      %mul3A_33 = arith.constant 2 : i32
      %mul3A_34 = arith.muli %mul3A_33, %scan3A_32 : i32
      %add3A_35 = arith.constant 0 : i32
      %add3A_36 = arith.addi %mul3A_34, %add3A_35 : i32
      %add3A_37 = arith.constant 1 : i32
      %add3A_38 = arith.addi %add3A_36, %add3A_37 : i32
      %lt3A = arith.constant 20 : i32
      %lt3A_39 = arith.cmpi slt, %add3A_38, %lt3A : i32
      %convert_element_type3A = arith.extui %lt3A_39 : i1 to i32
      %cond3A = arith.constant 0 : i32
      %cond3A_40 = arith.cmpi ne, %convert_element_type3A, %cond3A : i32
      scf.if %cond3A_40 {
        %ge3A = arith.constant 1 : i32
        %ge3A_102 = arith.cmpi sge, %add3A_36, %ge3A : i32
        %convert_element_type3A_103 = arith.extui %ge3A_102 : i1 to i32
        %cond3A_104 = arith.constant 0 : i32
        %cond3A_105 = arith.cmpi ne, %convert_element_type3A_103, %cond3A_104 : i32
        scf.if %cond3A_105 {
          %dma_wait3A_120 = arith.constant 0 : i32
          %dma_wait3A_121 = arith.constant 0 : i32
          %dma_wait3A_122 = tpu.memref_slice %arg6[%dma_wait3A_120, %dma_wait3A_121] : memref<81920x128xf32, #tpu.memory_space<hbm>> -> memref<128x128xf32, #tpu.memory_space<hbm>>
          %dma_wait3A_123 = arith.constant 0 : i32
          %dma_wait3A_124 = arith.constant 0 : i32
          %dma_wait3A_125 = tpu.memref_slice %arg6[%dma_wait3A_123, %dma_wait3A_124] : memref<81920x128xf32, #tpu.memory_space<hbm>> -> memref<128x128xf32, #tpu.memory_space<hbm>>
          tpu.wait_dma2 semaphore(%arg16 : memref<!tpu.dma_semaphore, #tpu.memory_space<semaphore_mem>>) src(%arg11 : memref<128x128xf32, #tpu.memory_space<vmem>>) dst(%dma_wait3A_125 : memref<128x128xf32, #tpu.memory_space<hbm>>)
        } else {
        }
        %add3A_106 = arith.constant 1 : i32
        %add3A_107 = arith.addi %add3A_36, %add3A_106 : i32
        %dma_start3A_108 = arith.constant 0 : i32
        %dma_start3A_109 = tpu.memref_slice %arg7[%add3A_107, %dma_start3A_108] : memref<20x128xi32, #tpu.memory_space<vmem>> -> memref<1x128xi32, #tpu.memory_space<vmem>>
        %dma_start3A_110 = tpu.memref_squeeze %dma_start3A_109 : memref<1x128xi32, #tpu.memory_space<vmem>> -> memref<128xi32, #tpu.memory_space<vmem>>
        %dma_start3A_111 = arith.constant 0 : i32
        %dma_start3A_112 = arith.constant 0 : i32
        %dma_start3A_113 = tpu.memref_slice %arg2[%dma_start3A_111, %dma_start3A_112] : memref<10000x128xf32, #tpu.memory_space<hbm>> -> memref<10000x128xf32, #tpu.memory_space<hbm>>
        tpu.enqueue_indirect_dma source(%dma_start3A_113 : memref<10000x128xf32, #tpu.memory_space<hbm>>) target(%arg11 : memref<128x128xf32, #tpu.memory_space<vmem>>) offsets(%dma_start3A_110 : memref<128xi32, #tpu.memory_space<vmem>>) semaphore(%arg14 : memref<!tpu.dma_semaphore, #tpu.memory_space<semaphore_mem>>)
        %dma_start3A_114 = arith.constant 0 : i32
        %dma_start3A_115 = tpu.memref_slice %arg8[%add3A_107, %dma_start3A_114] : memref<20x128xi32, #tpu.memory_space<vmem>> -> memref<1x128xi32, #tpu.memory_space<vmem>>
        %dma_start3A_116 = tpu.memref_squeeze %dma_start3A_115 : memref<1x128xi32, #tpu.memory_space<vmem>> -> memref<128xi32, #tpu.memory_space<vmem>>
        %dma_start3A_117 = arith.constant 0 : i32
        %dma_start3A_118 = arith.constant 0 : i32
        %dma_start3A_119 = tpu.memref_slice %arg3[%dma_start3A_117, %dma_start3A_118] : memref<10000x128xf32, #tpu.memory_space<hbm>> -> memref<10000x128xf32, #tpu.memory_space<hbm>>
        tpu.enqueue_indirect_dma source(%dma_start3A_119 : memref<10000x128xf32, #tpu.memory_space<hbm>>) target(%arg12 : memref<128x128xf32, #tpu.memory_space<vmem>>) offsets(%dma_start3A_116 : memref<128xi32, #tpu.memory_space<vmem>>) semaphore(%arg14 : memref<!tpu.dma_semaphore, #tpu.memory_space<semaphore_mem>>)
      } else {
      }
      %dma_wait3A_41 = arith.constant 0 : i32
      %dma_wait3A_42 = arith.constant 0 : i32
      %dma_wait3A_43 = tpu.memref_slice %arg2[%dma_wait3A_41, %dma_wait3A_42] : memref<10000x128xf32, #tpu.memory_space<hbm>> -> memref<128x128xf32, #tpu.memory_space<hbm>>
      %dma_wait3A_44 = arith.constant 0 : i32
      %dma_wait3A_45 = arith.constant 0 : i32
      %dma_wait3A_46 = tpu.memref_slice %arg2[%dma_wait3A_44, %dma_wait3A_45] : memref<10000x128xf32, #tpu.memory_space<hbm>> -> memref<128x128xf32, #tpu.memory_space<hbm>>
      tpu.wait_dma2 semaphore(%arg13 : memref<!tpu.dma_semaphore, #tpu.memory_space<semaphore_mem>>) src(%dma_wait3A_46 : memref<128x128xf32, #tpu.memory_space<hbm>>) dst(%arg9 : memref<128x128xf32, #tpu.memory_space<vmem>>)
      %dma_wait3A_47 = arith.constant 0 : i32
      %dma_wait3A_48 = arith.constant 0 : i32
      %dma_wait3A_49 = tpu.memref_slice %arg3[%dma_wait3A_47, %dma_wait3A_48] : memref<10000x128xf32, #tpu.memory_space<hbm>> -> memref<128x128xf32, #tpu.memory_space<hbm>>
      %dma_wait3A_50 = arith.constant 0 : i32
      %dma_wait3A_51 = arith.constant 0 : i32
      %dma_wait3A_52 = tpu.memref_slice %arg3[%dma_wait3A_50, %dma_wait3A_51] : memref<10000x128xf32, #tpu.memory_space<hbm>> -> memref<128x128xf32, #tpu.memory_space<hbm>>
      tpu.wait_dma2 semaphore(%arg13 : memref<!tpu.dma_semaphore, #tpu.memory_space<semaphore_mem>>) src(%dma_wait3A_52 : memref<128x128xf32, #tpu.memory_space<hbm>>) dst(%arg10 : memref<128x128xf32, #tpu.memory_space<vmem>>)
      %scan3A_53 = arith.constant 0 : i32
      %scan3A_54 = arith.constant 0 : i32
      %scan3A_55 = arith.constant 128 : i32
      %scan3A_56 = arith.addi %scan3A_54, %scan3A_55 : i32
      %scan3A_57 = arith.constant 1 : i32
      scf.for %scan3A_102 = %scan3A_54 to %scan3A_56 step %scan3A_57  : i32 {
        %get3A = arith.index_cast %scan3A_102 : i32 to index
        %get3A_103 = arith.constant 0 : index
        %get3A_104 = tpu.vector_load %arg9[%get3A, %get3A_103] {strides = array<i32>} : memref<128x128xf32, #tpu.memory_space<vmem>>, vector<1x16xf32>,
        %get3A_105 = vector.shape_cast %get3A_104 : vector<1x16xf32> to vector<16xf32>
        %get3A_106 = arith.index_cast %scan3A_102 : i32 to index
        %get3A_107 = arith.constant 0 : index
        %get3A_108 = tpu.vector_load %arg10[%get3A_106, %get3A_107] {strides = array<i32>} : memref<128x128xf32, #tpu.memory_space<vmem>>, vector<1x16xf32>,
        %get3A_109 = vector.shape_cast %get3A_108 : vector<1x16xf32> to vector<16xf32>
        %add3A_110 = arith.addf %get3A_105, %get3A_109 : vector<16xf32>
        %swap3A = arith.index_cast %scan3A_102 : i32 to index
        %swap3A_111 = arith.constant 0 : index
        %swap3A_112 = tpu.vector_load %arg9[%swap3A, %swap3A_111] {strides = array<i32>} : memref<128x128xf32, #tpu.memory_space<vmem>>, vector<1x16xf32>,
        %swap3A_113 = vector.shape_cast %swap3A_112 : vector<1x16xf32> to vector<16xf32>
        %swap3A_114 = vector.shape_cast %add3A_110 : vector<16xf32> to vector<1x16xf32>
        tpu.vector_store %arg9[%swap3A, %swap3A_111], %swap3A_114 {strides = array<i32>} : memref<128x128xf32, #tpu.memory_space<vmem>>, vector<1x16xf32>,
        %get3A_115 = arith.index_cast %scan3A_102 : i32 to index
        %get3A_116 = arith.constant 16 : index
        %get3A_117 = tpu.vector_load %arg9[%get3A_115, %get3A_116] {strides = array<i32>} : memref<128x128xf32, #tpu.memory_space<vmem>>, vector<1x16xf32>,
        %get3A_118 = vector.shape_cast %get3A_117 : vector<1x16xf32> to vector<16xf32>
        %get3A_119 = arith.index_cast %scan3A_102 : i32 to index
        %get3A_120 = arith.constant 16 : index
        %get3A_121 = tpu.vector_load %arg10[%get3A_119, %get3A_120] {strides = array<i32>} : memref<128x128xf32, #tpu.memory_space<vmem>>, vector<1x16xf32>,
        %get3A_122 = vector.shape_cast %get3A_121 : vector<1x16xf32> to vector<16xf32>
        %add3A_123 = arith.addf %get3A_118, %get3A_122 : vector<16xf32>
        %swap3A_124 = arith.index_cast %scan3A_102 : i32 to index
        %swap3A_125 = arith.constant 16 : index
        %swap3A_126 = tpu.vector_load %arg9[%swap3A_124, %swap3A_125] {strides = array<i32>} : memref<128x128xf32, #tpu.memory_space<vmem>>, vector<1x16xf32>,
        %swap3A_127 = vector.shape_cast %swap3A_126 : vector<1x16xf32> to vector<16xf32>
        %swap3A_128 = vector.shape_cast %add3A_123 : vector<16xf32> to vector<1x16xf32>
        tpu.vector_store %arg9[%swap3A_124, %swap3A_125], %swap3A_128 {strides = array<i32>} : memref<128x128xf32, #tpu.memory_space<vmem>>, vector<1x16xf32>,
        %get3A_129 = arith.index_cast %scan3A_102 : i32 to index
        %get3A_130 = arith.constant 32 : index
        %get3A_131 = tpu.vector_load %arg9[%get3A_129, %get3A_130] {strides = array<i32>} : memref<128x128xf32, #tpu.memory_space<vmem>>, vector<1x16xf32>,
        %get3A_132 = vector.shape_cast %get3A_131 : vector<1x16xf32> to vector<16xf32>
        %get3A_133 = arith.index_cast %scan3A_102 : i32 to index
        %get3A_134 = arith.constant 32 : index
        %get3A_135 = tpu.vector_load %arg10[%get3A_133, %get3A_134] {strides = array<i32>} : memref<128x128xf32, #tpu.memory_space<vmem>>, vector<1x16xf32>,
        %get3A_136 = vector.shape_cast %get3A_135 : vector<1x16xf32> to vector<16xf32>
        %add3A_137 = arith.addf %get3A_132, %get3A_136 : vector<16xf32>
        %swap3A_138 = arith.index_cast %scan3A_102 : i32 to index
        %swap3A_139 = arith.constant 32 : index
        %swap3A_140 = tpu.vector_load %arg9[%swap3A_138, %swap3A_139] {strides = array<i32>} : memref<128x128xf32, #tpu.memory_space<vmem>>, vector<1x16xf32>,
        %swap3A_141 = vector.shape_cast %swap3A_140 : vector<1x16xf32> to vector<16xf32>
        %swap3A_142 = vector.shape_cast %add3A_137 : vector<16xf32> to vector<1x16xf32>
        tpu.vector_store %arg9[%swap3A_138, %swap3A_139], %swap3A_142 {strides = array<i32>} : memref<128x128xf32, #tpu.memory_space<vmem>>, vector<1x16xf32>,
        %get3A_143 = arith.index_cast %scan3A_102 : i32 to index
        %get3A_144 = arith.constant 48 : index
        %get3A_145 = tpu.vector_load %arg9[%get3A_143, %get3A_144] {strides = array<i32>} : memref<128x128xf32, #tpu.memory_space<vmem>>, vector<1x16xf32>,
        %get3A_146 = vector.shape_cast %get3A_145 : vector<1x16xf32> to vector<16xf32>
        %get3A_147 = arith.index_cast %scan3A_102 : i32 to index
        %get3A_148 = arith.constant 48 : index
        %get3A_149 = tpu.vector_load %arg10[%get3A_147, %get3A_148] {strides = array<i32>} : memref<128x128xf32, #tpu.memory_space<vmem>>, vector<1x16xf32>,
        %get3A_150 = vector.shape_cast %get3A_149 : vector<1x16xf32> to vector<16xf32>
        %add3A_151 = arith.addf %get3A_146, %get3A_150 : vector<16xf32>
        %swap3A_152 = arith.index_cast %scan3A_102 : i32 to index
        %swap3A_153 = arith.constant 48 : index
        %swap3A_154 = tpu.vector_load %arg9[%swap3A_152, %swap3A_153] {strides = array<i32>} : memref<128x128xf32, #tpu.memory_space<vmem>>, vector<1x16xf32>,
        %swap3A_155 = vector.shape_cast %swap3A_154 : vector<1x16xf32> to vector<16xf32>
        %swap3A_156 = vector.shape_cast %add3A_151 : vector<16xf32> to vector<1x16xf32>
        tpu.vector_store %arg9[%swap3A_152, %swap3A_153], %swap3A_156 {strides = array<i32>} : memref<128x128xf32, #tpu.memory_space<vmem>>, vector<1x16xf32>,
        %get3A_157 = arith.index_cast %scan3A_102 : i32 to index
        %get3A_158 = arith.constant 64 : index
        %get3A_159 = tpu.vector_load %arg9[%get3A_157, %get3A_158] {strides = array<i32>} : memref<128x128xf32, #tpu.memory_space<vmem>>, vector<1x16xf32>,
        %get3A_160 = vector.shape_cast %get3A_159 : vector<1x16xf32> to vector<16xf32>
        %get3A_161 = arith.index_cast %scan3A_102 : i32 to index
        %get3A_162 = arith.constant 64 : index
        %get3A_163 = tpu.vector_load %arg10[%get3A_161, %get3A_162] {strides = array<i32>} : memref<128x128xf32, #tpu.memory_space<vmem>>, vector<1x16xf32>,
        %get3A_164 = vector.shape_cast %get3A_163 : vector<1x16xf32> to vector<16xf32>
        %add3A_165 = arith.addf %get3A_160, %get3A_164 : vector<16xf32>
        %swap3A_166 = arith.index_cast %scan3A_102 : i32 to index
        %swap3A_167 = arith.constant 64 : index
        %swap3A_168 = tpu.vector_load %arg9[%swap3A_166, %swap3A_167] {strides = array<i32>} : memref<128x128xf32, #tpu.memory_space<vmem>>, vector<1x16xf32>,
        %swap3A_169 = vector.shape_cast %swap3A_168 : vector<1x16xf32> to vector<16xf32>
        %swap3A_170 = vector.shape_cast %add3A_165 : vector<16xf32> to vector<1x16xf32>
        tpu.vector_store %arg9[%swap3A_166, %swap3A_167], %swap3A_170 {strides = array<i32>} : memref<128x128xf32, #tpu.memory_space<vmem>>, vector<1x16xf32>,
        %get3A_171 = arith.index_cast %scan3A_102 : i32 to index
        %get3A_172 = arith.constant 80 : index
        %get3A_173 = tpu.vector_load %arg9[%get3A_171, %get3A_172] {strides = array<i32>} : memref<128x128xf32, #tpu.memory_space<vmem>>, vector<1x16xf32>,
        %get3A_174 = vector.shape_cast %get3A_173 : vector<1x16xf32> to vector<16xf32>
        %get3A_175 = arith.index_cast %scan3A_102 : i32 to index
        %get3A_176 = arith.constant 80 : index
        %get3A_177 = tpu.vector_load %arg10[%get3A_175, %get3A_176] {strides = array<i32>} : memref<128x128xf32, #tpu.memory_space<vmem>>, vector<1x16xf32>,
        %get3A_178 = vector.shape_cast %get3A_177 : vector<1x16xf32> to vector<16xf32>
        %add3A_179 = arith.addf %get3A_174, %get3A_178 : vector<16xf32>
        %swap3A_180 = arith.index_cast %scan3A_102 : i32 to index
        %swap3A_181 = arith.constant 80 : index
        %swap3A_182 = tpu.vector_load %arg9[%swap3A_180, %swap3A_181] {strides = array<i32>} : memref<128x128xf32, #tpu.memory_space<vmem>>, vector<1x16xf32>,
        %swap3A_183 = vector.shape_cast %swap3A_182 : vector<1x16xf32> to vector<16xf32>
        %swap3A_184 = vector.shape_cast %add3A_179 : vector<16xf32> to vector<1x16xf32>
        tpu.vector_store %arg9[%swap3A_180, %swap3A_181], %swap3A_184 {strides = array<i32>} : memref<128x128xf32, #tpu.memory_space<vmem>>, vector<1x16xf32>,
        %get3A_185 = arith.index_cast %scan3A_102 : i32 to index
        %get3A_186 = arith.constant 96 : index
        %get3A_187 = tpu.vector_load %arg9[%get3A_185, %get3A_186] {strides = array<i32>} : memref<128x128xf32, #tpu.memory_space<vmem>>, vector<1x16xf32>,
        %get3A_188 = vector.shape_cast %get3A_187 : vector<1x16xf32> to vector<16xf32>
        %get3A_189 = arith.index_cast %scan3A_102 : i32 to index
        %get3A_190 = arith.constant 96 : index
        %get3A_191 = tpu.vector_load %arg10[%get3A_189, %get3A_190] {strides = array<i32>} : memref<128x128xf32, #tpu.memory_space<vmem>>, vector<1x16xf32>,
        %get3A_192 = vector.shape_cast %get3A_191 : vector<1x16xf32> to vector<16xf32>
        %add3A_193 = arith.addf %get3A_188, %get3A_192 : vector<16xf32>
        %swap3A_194 = arith.index_cast %scan3A_102 : i32 to index
        %swap3A_195 = arith.constant 96 : index
        %swap3A_196 = tpu.vector_load %arg9[%swap3A_194, %swap3A_195] {strides = array<i32>} : memref<128x128xf32, #tpu.memory_space<vmem>>, vector<1x16xf32>,
        %swap3A_197 = vector.shape_cast %swap3A_196 : vector<1x16xf32> to vector<16xf32>
        %swap3A_198 = vector.shape_cast %add3A_193 : vector<16xf32> to vector<1x16xf32>
        tpu.vector_store %arg9[%swap3A_194, %swap3A_195], %swap3A_198 {strides = array<i32>} : memref<128x128xf32, #tpu.memory_space<vmem>>, vector<1x16xf32>,
        %get3A_199 = arith.index_cast %scan3A_102 : i32 to index
        %get3A_200 = arith.constant 112 : index
        %get3A_201 = tpu.vector_load %arg9[%get3A_199, %get3A_200] {strides = array<i32>} : memref<128x128xf32, #tpu.memory_space<vmem>>, vector<1x16xf32>,
        %get3A_202 = vector.shape_cast %get3A_201 : vector<1x16xf32> to vector<16xf32>
        %get3A_203 = arith.index_cast %scan3A_102 : i32 to index
        %get3A_204 = arith.constant 112 : index
        %get3A_205 = tpu.vector_load %arg10[%get3A_203, %get3A_204] {strides = array<i32>} : memref<128x128xf32, #tpu.memory_space<vmem>>, vector<1x16xf32>,
        %get3A_206 = vector.shape_cast %get3A_205 : vector<1x16xf32> to vector<16xf32>
        %add3A_207 = arith.addf %get3A_202, %get3A_206 : vector<16xf32>
        %swap3A_208 = arith.index_cast %scan3A_102 : i32 to index
        %swap3A_209 = arith.constant 112 : index
        %swap3A_210 = tpu.vector_load %arg9[%swap3A_208, %swap3A_209] {strides = array<i32>} : memref<128x128xf32, #tpu.memory_space<vmem>>, vector<1x16xf32>,
        %swap3A_211 = vector.shape_cast %swap3A_210 : vector<1x16xf32> to vector<16xf32>
        %swap3A_212 = vector.shape_cast %add3A_207 : vector<16xf32> to vector<1x16xf32>
        tpu.vector_store %arg9[%swap3A_208, %swap3A_209], %swap3A_212 {strides = array<i32>} : memref<128x128xf32, #tpu.memory_space<vmem>>, vector<1x16xf32>,
      }
      %scan3A_58 = arith.constant 128 : i32
      %add3A_59 = arith.addi %mul3A_2, %add3A_36 : i32
      %mul3A_60 = arith.constant 128 : i32
      %mul3A_61 = arith.muli %add3A_59, %mul3A_60 : i32
      %dma_start3A_62 = arith.constant 0 : i32
      %dma_start3A_63 = tpu.memref_slice %arg6[%mul3A_61, %dma_start3A_62] : memref<81920x128xf32, #tpu.memory_space<hbm>> -> memref<128x128xf32, #tpu.memory_space<hbm>>
      %dma_start3A_64 = arith.constant 0 : i32
      %dma_start3A_65 = tpu.memref_slice %arg6[%mul3A_61, %dma_start3A_64] : memref<81920x128xf32, #tpu.memory_space<hbm>> -> memref<128x128xf32, #tpu.memory_space<hbm>>
      tpu.enqueue_dma source(%arg9 : memref<128x128xf32, #tpu.memory_space<vmem>>) target(%dma_start3A_65 : memref<128x128xf32, #tpu.memory_space<hbm>>) target_semaphore(%arg15 : memref<!tpu.dma_semaphore, #tpu.memory_space<semaphore_mem>>)
      %mul3A_66 = arith.constant 2 : i32
      %mul3A_67 = arith.muli %mul3A_66, %scan3A_32 : i32
      %add3A_68 = arith.constant 1 : i32
      %add3A_69 = arith.addi %mul3A_67, %add3A_68 : i32
      %add3A_70 = arith.constant 1 : i32
      %add3A_71 = arith.addi %add3A_69, %add3A_70 : i32
      %lt3A_72 = arith.constant 20 : i32
      %lt3A_73 = arith.cmpi slt, %add3A_71, %lt3A_72 : i32
      %convert_element_type3A_74 = arith.extui %lt3A_73 : i1 to i32
      %cond3A_75 = arith.constant 0 : i32
      %cond3A_76 = arith.cmpi ne, %convert_element_type3A_74, %cond3A_75 : i32
      scf.if %cond3A_76 {
        %ge3A = arith.constant 1 : i32
        %ge3A_102 = arith.cmpi sge, %add3A_69, %ge3A : i32
        %convert_element_type3A_103 = arith.extui %ge3A_102 : i1 to i32
        %cond3A_104 = arith.constant 0 : i32
        %cond3A_105 = arith.cmpi ne, %convert_element_type3A_103, %cond3A_104 : i32
        scf.if %cond3A_105 {
          %dma_wait3A_120 = arith.constant 0 : i32
          %dma_wait3A_121 = arith.constant 0 : i32
          %dma_wait3A_122 = tpu.memref_slice %arg6[%dma_wait3A_120, %dma_wait3A_121] : memref<81920x128xf32, #tpu.memory_space<hbm>> -> memref<128x128xf32, #tpu.memory_space<hbm>>
          %dma_wait3A_123 = arith.constant 0 : i32
          %dma_wait3A_124 = arith.constant 0 : i32
          %dma_wait3A_125 = tpu.memref_slice %arg6[%dma_wait3A_123, %dma_wait3A_124] : memref<81920x128xf32, #tpu.memory_space<hbm>> -> memref<128x128xf32, #tpu.memory_space<hbm>>
          tpu.wait_dma2 semaphore(%arg15 : memref<!tpu.dma_semaphore, #tpu.memory_space<semaphore_mem>>) src(%arg9 : memref<128x128xf32, #tpu.memory_space<vmem>>) dst(%dma_wait3A_125 : memref<128x128xf32, #tpu.memory_space<hbm>>)
        } else {
        }
        %add3A_106 = arith.constant 1 : i32
        %add3A_107 = arith.addi %add3A_69, %add3A_106 : i32
        %dma_start3A_108 = arith.constant 0 : i32
        %dma_start3A_109 = tpu.memref_slice %arg7[%add3A_107, %dma_start3A_108] : memref<20x128xi32, #tpu.memory_space<vmem>> -> memref<1x128xi32, #tpu.memory_space<vmem>>
        %dma_start3A_110 = tpu.memref_squeeze %dma_start3A_109 : memref<1x128xi32, #tpu.memory_space<vmem>> -> memref<128xi32, #tpu.memory_space<vmem>>
        %dma_start3A_111 = arith.constant 0 : i32
        %dma_start3A_112 = arith.constant 0 : i32
        %dma_start3A_113 = tpu.memref_slice %arg2[%dma_start3A_111, %dma_start3A_112] : memref<10000x128xf32, #tpu.memory_space<hbm>> -> memref<10000x128xf32, #tpu.memory_space<hbm>>
        tpu.enqueue_indirect_dma source(%dma_start3A_113 : memref<10000x128xf32, #tpu.memory_space<hbm>>) target(%arg9 : memref<128x128xf32, #tpu.memory_space<vmem>>) offsets(%dma_start3A_110 : memref<128xi32, #tpu.memory_space<vmem>>) semaphore(%arg13 : memref<!tpu.dma_semaphore, #tpu.memory_space<semaphore_mem>>)
        %dma_start3A_114 = arith.constant 0 : i32
        %dma_start3A_115 = tpu.memref_slice %arg8[%add3A_107, %dma_start3A_114] : memref<20x128xi32, #tpu.memory_space<vmem>> -> memref<1x128xi32, #tpu.memory_space<vmem>>
        %dma_start3A_116 = tpu.memref_squeeze %dma_start3A_115 : memref<1x128xi32, #tpu.memory_space<vmem>> -> memref<128xi32, #tpu.memory_space<vmem>>
        %dma_start3A_117 = arith.constant 0 : i32
        %dma_start3A_118 = arith.constant 0 : i32
        %dma_start3A_119 = tpu.memref_slice %arg3[%dma_start3A_117, %dma_start3A_118] : memref<10000x128xf32, #tpu.memory_space<hbm>> -> memref<10000x128xf32, #tpu.memory_space<hbm>>
        tpu.enqueue_indirect_dma source(%dma_start3A_119 : memref<10000x128xf32, #tpu.memory_space<hbm>>) target(%arg10 : memref<128x128xf32, #tpu.memory_space<vmem>>) offsets(%dma_start3A_116 : memref<128xi32, #tpu.memory_space<vmem>>) semaphore(%arg13 : memref<!tpu.dma_semaphore, #tpu.memory_space<semaphore_mem>>)
      } else {
      }
      %dma_wait3A_77 = arith.constant 0 : i32
      %dma_wait3A_78 = arith.constant 0 : i32
      %dma_wait3A_79 = tpu.memref_slice %arg2[%dma_wait3A_77, %dma_wait3A_78] : memref<10000x128xf32, #tpu.memory_space<hbm>> -> memref<128x128xf32, #tpu.memory_space<hbm>>
      %dma_wait3A_80 = arith.constant 0 : i32
      %dma_wait3A_81 = arith.constant 0 : i32
      %dma_wait3A_82 = tpu.memref_slice %arg2[%dma_wait3A_80, %dma_wait3A_81] : memref<10000x128xf32, #tpu.memory_space<hbm>> -> memref<128x128xf32, #tpu.memory_space<hbm>>
      tpu.wait_dma2 semaphore(%arg14 : memref<!tpu.dma_semaphore, #tpu.memory_space<semaphore_mem>>) src(%dma_wait3A_82 : memref<128x128xf32, #tpu.memory_space<hbm>>) dst(%arg11 : memref<128x128xf32, #tpu.memory_space<vmem>>)
      %dma_wait3A_83 = arith.constant 0 : i32
      %dma_wait3A_84 = arith.constant 0 : i32
      %dma_wait3A_85 = tpu.memref_slice %arg3[%dma_wait3A_83, %dma_wait3A_84] : memref<10000x128xf32, #tpu.memory_space<hbm>> -> memref<128x128xf32, #tpu.memory_space<hbm>>
      %dma_wait3A_86 = arith.constant 0 : i32
      %dma_wait3A_87 = arith.constant 0 : i32
      %dma_wait3A_88 = tpu.memref_slice %arg3[%dma_wait3A_86, %dma_wait3A_87] : memref<10000x128xf32, #tpu.memory_space<hbm>> -> memref<128x128xf32, #tpu.memory_space<hbm>>
      tpu.wait_dma2 semaphore(%arg14 : memref<!tpu.dma_semaphore, #tpu.memory_space<semaphore_mem>>) src(%dma_wait3A_88 : memref<128x128xf32, #tpu.memory_space<hbm>>) dst(%arg12 : memref<128x128xf32, #tpu.memory_space<vmem>>)
      %scan3A_89 = arith.constant 0 : i32
      %scan3A_90 = arith.constant 0 : i32
      %scan3A_91 = arith.constant 128 : i32
      %scan3A_92 = arith.addi %scan3A_90, %scan3A_91 : i32
      %scan3A_93 = arith.constant 1 : i32
      scf.for %scan3A_102 = %scan3A_90 to %scan3A_92 step %scan3A_93  : i32 {
        %get3A = arith.index_cast %scan3A_102 : i32 to index
        %get3A_103 = arith.constant 0 : index
        %get3A_104 = tpu.vector_load %arg11[%get3A, %get3A_103] {strides = array<i32>} : memref<128x128xf32, #tpu.memory_space<vmem>>, vector<1x16xf32>,
        %get3A_105 = vector.shape_cast %get3A_104 : vector<1x16xf32> to vector<16xf32>
        %get3A_106 = arith.index_cast %scan3A_102 : i32 to index
        %get3A_107 = arith.constant 0 : index
        %get3A_108 = tpu.vector_load %arg12[%get3A_106, %get3A_107] {strides = array<i32>} : memref<128x128xf32, #tpu.memory_space<vmem>>, vector<1x16xf32>,
        %get3A_109 = vector.shape_cast %get3A_108 : vector<1x16xf32> to vector<16xf32>
        %add3A_110 = arith.addf %get3A_105, %get3A_109 : vector<16xf32>
        %swap3A = arith.index_cast %scan3A_102 : i32 to index
        %swap3A_111 = arith.constant 0 : index
        %swap3A_112 = tpu.vector_load %arg11[%swap3A, %swap3A_111] {strides = array<i32>} : memref<128x128xf32, #tpu.memory_space<vmem>>, vector<1x16xf32>,
        %swap3A_113 = vector.shape_cast %swap3A_112 : vector<1x16xf32> to vector<16xf32>
        %swap3A_114 = vector.shape_cast %add3A_110 : vector<16xf32> to vector<1x16xf32>
        tpu.vector_store %arg11[%swap3A, %swap3A_111], %swap3A_114 {strides = array<i32>} : memref<128x128xf32, #tpu.memory_space<vmem>>, vector<1x16xf32>,
        %get3A_115 = arith.index_cast %scan3A_102 : i32 to index
        %get3A_116 = arith.constant 16 : index
        %get3A_117 = tpu.vector_load %arg11[%get3A_115, %get3A_116] {strides = array<i32>} : memref<128x128xf32, #tpu.memory_space<vmem>>, vector<1x16xf32>,
        %get3A_118 = vector.shape_cast %get3A_117 : vector<1x16xf32> to vector<16xf32>
        %get3A_119 = arith.index_cast %scan3A_102 : i32 to index
        %get3A_120 = arith.constant 16 : index
        %get3A_121 = tpu.vector_load %arg12[%get3A_119, %get3A_120] {strides = array<i32>} : memref<128x128xf32, #tpu.memory_space<vmem>>, vector<1x16xf32>,
        %get3A_122 = vector.shape_cast %get3A_121 : vector<1x16xf32> to vector<16xf32>
        %add3A_123 = arith.addf %get3A_118, %get3A_122 : vector<16xf32>
        %swap3A_124 = arith.index_cast %scan3A_102 : i32 to index
        %swap3A_125 = arith.constant 16 : index
        %swap3A_126 = tpu.vector_load %arg11[%swap3A_124, %swap3A_125] {strides = array<i32>} : memref<128x128xf32, #tpu.memory_space<vmem>>, vector<1x16xf32>,
        %swap3A_127 = vector.shape_cast %swap3A_126 : vector<1x16xf32> to vector<16xf32>
        %swap3A_128 = vector.shape_cast %add3A_123 : vector<16xf32> to vector<1x16xf32>
        tpu.vector_store %arg11[%swap3A_124, %swap3A_125], %swap3A_128 {strides = array<i32>} : memref<128x128xf32, #tpu.memory_space<vmem>>, vector<1x16xf32>,
        %get3A_129 = arith.index_cast %scan3A_102 : i32 to index
        %get3A_130 = arith.constant 32 : index
        %get3A_131 = tpu.vector_load %arg11[%get3A_129, %get3A_130] {strides = array<i32>} : memref<128x128xf32, #tpu.memory_space<vmem>>, vector<1x16xf32>,
        %get3A_132 = vector.shape_cast %get3A_131 : vector<1x16xf32> to vector<16xf32>
        %get3A_133 = arith.index_cast %scan3A_102 : i32 to index
        %get3A_134 = arith.constant 32 : index
        %get3A_135 = tpu.vector_load %arg12[%get3A_133, %get3A_134] {strides = array<i32>} : memref<128x128xf32, #tpu.memory_space<vmem>>, vector<1x16xf32>,
        %get3A_136 = vector.shape_cast %get3A_135 : vector<1x16xf32> to vector<16xf32>
        %add3A_137 = arith.addf %get3A_132, %get3A_136 : vector<16xf32>
        %swap3A_138 = arith.index_cast %scan3A_102 : i32 to index
        %swap3A_139 = arith.constant 32 : index
        %swap3A_140 = tpu.vector_load %arg11[%swap3A_138, %swap3A_139] {strides = array<i32>} : memref<128x128xf32, #tpu.memory_space<vmem>>, vector<1x16xf32>,
        %swap3A_141 = vector.shape_cast %swap3A_140 : vector<1x16xf32> to vector<16xf32>
        %swap3A_142 = vector.shape_cast %add3A_137 : vector<16xf32> to vector<1x16xf32>
        tpu.vector_store %arg11[%swap3A_138, %swap3A_139], %swap3A_142 {strides = array<i32>} : memref<128x128xf32, #tpu.memory_space<vmem>>, vector<1x16xf32>,
        %get3A_143 = arith.index_cast %scan3A_102 : i32 to index
        %get3A_144 = arith.constant 48 : index
        %get3A_145 = tpu.vector_load %arg11[%get3A_143, %get3A_144] {strides = array<i32>} : memref<128x128xf32, #tpu.memory_space<vmem>>, vector<1x16xf32>,
        %get3A_146 = vector.shape_cast %get3A_145 : vector<1x16xf32> to vector<16xf32>
        %get3A_147 = arith.index_cast %scan3A_102 : i32 to index
        %get3A_148 = arith.constant 48 : index
        %get3A_149 = tpu.vector_load %arg12[%get3A_147, %get3A_148] {strides = array<i32>} : memref<128x128xf32, #tpu.memory_space<vmem>>, vector<1x16xf32>,
        %get3A_150 = vector.shape_cast %get3A_149 : vector<1x16xf32> to vector<16xf32>
        %add3A_151 = arith.addf %get3A_146, %get3A_150 : vector<16xf32>
        %swap3A_152 = arith.index_cast %scan3A_102 : i32 to index
        %swap3A_153 = arith.constant 48 : index
        %swap3A_154 = tpu.vector_load %arg11[%swap3A_152, %swap3A_153] {strides = array<i32>} : memref<128x128xf32, #tpu.memory_space<vmem>>, vector<1x16xf32>,
        %swap3A_155 = vector.shape_cast %swap3A_154 : vector<1x16xf32> to vector<16xf32>
        %swap3A_156 = vector.shape_cast %add3A_151 : vector<16xf32> to vector<1x16xf32>
        tpu.vector_store %arg11[%swap3A_152, %swap3A_153], %swap3A_156 {strides = array<i32>} : memref<128x128xf32, #tpu.memory_space<vmem>>, vector<1x16xf32>,
        %get3A_157 = arith.index_cast %scan3A_102 : i32 to index
        %get3A_158 = arith.constant 64 : index
        %get3A_159 = tpu.vector_load %arg11[%get3A_157, %get3A_158] {strides = array<i32>} : memref<128x128xf32, #tpu.memory_space<vmem>>, vector<1x16xf32>,
        %get3A_160 = vector.shape_cast %get3A_159 : vector<1x16xf32> to vector<16xf32>
        %get3A_161 = arith.index_cast %scan3A_102 : i32 to index
        %get3A_162 = arith.constant 64 : index
        %get3A_163 = tpu.vector_load %arg12[%get3A_161, %get3A_162] {strides = array<i32>} : memref<128x128xf32, #tpu.memory_space<vmem>>, vector<1x16xf32>,
        %get3A_164 = vector.shape_cast %get3A_163 : vector<1x16xf32> to vector<16xf32>
        %add3A_165 = arith.addf %get3A_160, %get3A_164 : vector<16xf32>
        %swap3A_166 = arith.index_cast %scan3A_102 : i32 to index
        %swap3A_167 = arith.constant 64 : index
        %swap3A_168 = tpu.vector_load %arg11[%swap3A_166, %swap3A_167] {strides = array<i32>} : memref<128x128xf32, #tpu.memory_space<vmem>>, vector<1x16xf32>,
        %swap3A_169 = vector.shape_cast %swap3A_168 : vector<1x16xf32> to vector<16xf32>
        %swap3A_170 = vector.shape_cast %add3A_165 : vector<16xf32> to vector<1x16xf32>
        tpu.vector_store %arg11[%swap3A_166, %swap3A_167], %swap3A_170 {strides = array<i32>} : memref<128x128xf32, #tpu.memory_space<vmem>>, vector<1x16xf32>,
        %get3A_171 = arith.index_cast %scan3A_102 : i32 to index
        %get3A_172 = arith.constant 80 : index
        %get3A_173 = tpu.vector_load %arg11[%get3A_171, %get3A_172] {strides = array<i32>} : memref<128x128xf32, #tpu.memory_space<vmem>>, vector<1x16xf32>,
        %get3A_174 = vector.shape_cast %get3A_173 : vector<1x16xf32> to vector<16xf32>
        %get3A_175 = arith.index_cast %scan3A_102 : i32 to index
        %get3A_176 = arith.constant 80 : index
        %get3A_177 = tpu.vector_load %arg12[%get3A_175, %get3A_176] {strides = array<i32>} : memref<128x128xf32, #tpu.memory_space<vmem>>, vector<1x16xf32>,
        %get3A_178 = vector.shape_cast %get3A_177 : vector<1x16xf32> to vector<16xf32>
        %add3A_179 = arith.addf %get3A_174, %get3A_178 : vector<16xf32>
        %swap3A_180 = arith.index_cast %scan3A_102 : i32 to index
        %swap3A_181 = arith.constant 80 : index
        %swap3A_182 = tpu.vector_load %arg11[%swap3A_180, %swap3A_181] {strides = array<i32>} : memref<128x128xf32, #tpu.memory_space<vmem>>, vector<1x16xf32>,
        %swap3A_183 = vector.shape_cast %swap3A_182 : vector<1x16xf32> to vector<16xf32>
        %swap3A_184 = vector.shape_cast %add3A_179 : vector<16xf32> to vector<1x16xf32>
        tpu.vector_store %arg11[%swap3A_180, %swap3A_181], %swap3A_184 {strides = array<i32>} : memref<128x128xf32, #tpu.memory_space<vmem>>, vector<1x16xf32>,
        %get3A_185 = arith.index_cast %scan3A_102 : i32 to index
        %get3A_186 = arith.constant 96 : index
        %get3A_187 = tpu.vector_load %arg11[%get3A_185, %get3A_186] {strides = array<i32>} : memref<128x128xf32, #tpu.memory_space<vmem>>, vector<1x16xf32>,
        %get3A_188 = vector.shape_cast %get3A_187 : vector<1x16xf32> to vector<16xf32>
        %get3A_189 = arith.index_cast %scan3A_102 : i32 to index
        %get3A_190 = arith.constant 96 : index
        %get3A_191 = tpu.vector_load %arg12[%get3A_189, %get3A_190] {strides = array<i32>} : memref<128x128xf32, #tpu.memory_space<vmem>>, vector<1x16xf32>,
        %get3A_192 = vector.shape_cast %get3A_191 : vector<1x16xf32> to vector<16xf32>
        %add3A_193 = arith.addf %get3A_188, %get3A_192 : vector<16xf32>
        %swap3A_194 = arith.index_cast %scan3A_102 : i32 to index
        %swap3A_195 = arith.constant 96 : index
        %swap3A_196 = tpu.vector_load %arg11[%swap3A_194, %swap3A_195] {strides = array<i32>} : memref<128x128xf32, #tpu.memory_space<vmem>>, vector<1x16xf32>,
        %swap3A_197 = vector.shape_cast %swap3A_196 : vector<1x16xf32> to vector<16xf32>
        %swap3A_198 = vector.shape_cast %add3A_193 : vector<16xf32> to vector<1x16xf32>
        tpu.vector_store %arg11[%swap3A_194, %swap3A_195], %swap3A_198 {strides = array<i32>} : memref<128x128xf32, #tpu.memory_space<vmem>>, vector<1x16xf32>,
        %get3A_199 = arith.index_cast %scan3A_102 : i32 to index
        %get3A_200 = arith.constant 112 : index
        %get3A_201 = tpu.vector_load %arg11[%get3A_199, %get3A_200] {strides = array<i32>} : memref<128x128xf32, #tpu.memory_space<vmem>>, vector<1x16xf32>,
        %get3A_202 = vector.shape_cast %get3A_201 : vector<1x16xf32> to vector<16xf32>
        %get3A_203 = arith.index_cast %scan3A_102 : i32 to index
        %get3A_204 = arith.constant 112 : index
        %get3A_205 = tpu.vector_load %arg12[%get3A_203, %get3A_204] {strides = array<i32>} : memref<128x128xf32, #tpu.memory_space<vmem>>, vector<1x16xf32>,
        %get3A_206 = vector.shape_cast %get3A_205 : vector<1x16xf32> to vector<16xf32>
        %add3A_207 = arith.addf %get3A_202, %get3A_206 : vector<16xf32>
        %swap3A_208 = arith.index_cast %scan3A_102 : i32 to index
        %swap3A_209 = arith.constant 112 : index
        %swap3A_210 = tpu.vector_load %arg11[%swap3A_208, %swap3A_209] {strides = array<i32>} : memref<128x128xf32, #tpu.memory_space<vmem>>, vector<1x16xf32>,
        %swap3A_211 = vector.shape_cast %swap3A_210 : vector<1x16xf32> to vector<16xf32>
        %swap3A_212 = vector.shape_cast %add3A_207 : vector<16xf32> to vector<1x16xf32>
        tpu.vector_store %arg11[%swap3A_208, %swap3A_209], %swap3A_212 {strides = array<i32>} : memref<128x128xf32, #tpu.memory_space<vmem>>, vector<1x16xf32>,
      }
      %scan3A_94 = arith.constant 128 : i32
      %add3A_95 = arith.addi %mul3A_2, %add3A_69 : i32
      %mul3A_96 = arith.constant 128 : i32
      %mul3A_97 = arith.muli %add3A_95, %mul3A_96 : i32
      %dma_start3A_98 = arith.constant 0 : i32
      %dma_start3A_99 = tpu.memref_slice %arg6[%mul3A_97, %dma_start3A_98] : memref<81920x128xf32, #tpu.memory_space<hbm>> -> memref<128x128xf32, #tpu.memory_space<hbm>>
      %dma_start3A_100 = arith.constant 0 : i32
      %dma_start3A_101 = tpu.memref_slice %arg6[%mul3A_97, %dma_start3A_100] : memref<81920x128xf32, #tpu.memory_space<hbm>> -> memref<128x128xf32, #tpu.memory_space<hbm>>
      tpu.enqueue_dma source(%arg11 : memref<128x128xf32, #tpu.memory_space<vmem>>) target(%dma_start3A_101 : memref<128x128xf32, #tpu.memory_space<hbm>>) target_semaphore(%arg16 : memref<!tpu.dma_semaphore, #tpu.memory_space<semaphore_mem>>)
    }
    %scan3A_20 = arith.constant 10 : i32
    %dma_wait3A = arith.constant 0 : i32
    %dma_wait3A_21 = arith.constant 0 : i32
    %dma_wait3A_22 = tpu.memref_slice %arg6[%dma_wait3A, %dma_wait3A_21] : memref<81920x128xf32, #tpu.memory_space<hbm>> -> memref<128x128xf32, #tpu.memory_space<hbm>>
    %dma_wait3A_23 = arith.constant 0 : i32
    %dma_wait3A_24 = arith.constant 0 : i32
    %dma_wait3A_25 = tpu.memref_slice %arg6[%dma_wait3A_23, %dma_wait3A_24] : memref<81920x128xf32, #tpu.memory_space<hbm>> -> memref<128x128xf32, #tpu.memory_space<hbm>>
    tpu.wait_dma2 semaphore(%arg15 : memref<!tpu.dma_semaphore, #tpu.memory_space<semaphore_mem>>) src(%arg9 : memref<128x128xf32, #tpu.memory_space<vmem>>) dst(%dma_wait3A_25 : memref<128x128xf32, #tpu.memory_space<hbm>>)
    %dma_wait3A_26 = arith.constant 0 : i32
    %dma_wait3A_27 = arith.constant 0 : i32
    %dma_wait3A_28 = tpu.memref_slice %arg6[%dma_wait3A_26, %dma_wait3A_27] : memref<81920x128xf32, #tpu.memory_space<hbm>> -> memref<128x128xf32, #tpu.memory_space<hbm>>
    %dma_wait3A_29 = arith.constant 0 : i32
    %dma_wait3A_30 = arith.constant 0 : i32
    %dma_wait3A_31 = tpu.memref_slice %arg6[%dma_wait3A_29, %dma_wait3A_30] : memref<81920x128xf32, #tpu.memory_space<hbm>> -> memref<128x128xf32, #tpu.memory_space<hbm>>
    tpu.wait_dma2 semaphore(%arg16 : memref<!tpu.dma_semaphore, #tpu.memory_space<semaphore_mem>>) src(%arg11 : memref<128x128xf32, #tpu.memory_space<vmem>>) dst(%dma_wait3A_31 : memref<128x128xf32, #tpu.memory_space<hbm>>)
    return
  }
}

module attributes {stable_mosaic.version = 14 : i64} {
  func.func @_tc1_body(%arg0: i32, %arg1: memref<1000x128xf32, #tpu.memory_space<vmem>>, %arg2: memref<1000x256xf32, #tpu.memory_space<vmem>>, %arg3: memref<256x128xf32, #tpu.memory_space<vmem>>, %arg4: memref<1x128xf32, #tpu.memory_space<vmem>>, %arg5: memref<256x128xf32, #tpu.memory_space<vmem>>, %arg6: memref<1x128xf32, #tpu.memory_space<vmem>>, %arg7: memref<128x128xf32, #tpu.memory_space<vmem>>, %arg8: memref<128x128xf32, #tpu.memory_space<vmem>>, %arg9: memref<1000x128xf32, #tpu.memory_space<vmem>>, %arg10: memref<1000x128xf32, #tpu.memory_space<vmem>>, %arg11: memref<1000x128xf32, #tpu.memory_space<vmem>>) attributes {dimension_semantics = [#tpu.dimension_semantics<arbitrary>], iteration_bounds = array<i64: 10>, scalar_prefetch = 0 : i64, scratch_operands = 0 : i64, tpu.core_type = #tpu.core_type<tc>, window_params = [{transform_indices = @transform_0, window_bounds = array<i64: 1000, 128>}, {transform_indices = @transform_1, window_bounds = array<i64: 1000, 256>}, {pipeline_mode = #tpu.pipeline_mode<synchronous>, transform_indices = @transform_2, window_bounds = array<i64: 256, 128>}, {pipeline_mode = #tpu.pipeline_mode<synchronous>, transform_indices = @transform_3, window_bounds = array<i64: 1, 128>}, {pipeline_mode = #tpu.pipeline_mode<synchronous>, transform_indices = @transform_4, window_bounds = array<i64: 256, 128>}, {pipeline_mode = #tpu.pipeline_mode<synchronous>, transform_indices = @transform_5, window_bounds = array<i64: 1, 128>}, {pipeline_mode = #tpu.pipeline_mode<synchronous>, transform_indices = @transform_6, window_bounds = array<i64: 128, 128>}, {pipeline_mode = #tpu.pipeline_mode<synchronous>, transform_indices = @transform_7, window_bounds = array<i64: 128, 128>}, {transform_indices = @transform_8, window_bounds = array<i64: 1000, 128>}, {transform_indices = @transform_9, window_bounds = array<i64: 1000, 128>}, {transform_indices = @transform_10, window_bounds = array<i64: 1000, 128>}]} {
    %get3A = arith.constant 0 : index
    %get3A_0 = arith.constant 0 : index
    %get3A_1 = vector.load %arg1[%get3A, %get3A_0] : memref<1000x128xf32, #tpu.memory_space<vmem>>, vector<1000x128xf32>
    %get3A_2 = arith.constant 0 : index
    %get3A_3 = arith.constant 0 : index
    %get3A_4 = vector.load %arg2[%get3A_2, %get3A_3] : memref<1000x256xf32, #tpu.memory_space<vmem>>, vector<1000x256xf32>
    %get3A_5 = arith.constant 0 : index
    %get3A_6 = arith.constant 0 : index
    %get3A_7 = vector.load %arg3[%get3A_5, %get3A_6] : memref<256x128xf32, #tpu.memory_space<vmem>>, vector<256x128xf32>
    %dot_general3A = arith.constant dense<0.000000e+00> : vector<1000x128xf32>
    %dot_general3A_8 = tpu.matmul %get3A_4, %get3A_7, %dot_general3A {dimension_numbers = #tpu.dot_dimension_numbers<[1], [0], [0], [1], [0, 0, 1, 1], [], []>, transpose_lhs_hint = false} : vector<1000x256xf32>, vector<256x128xf32>, vector<1000x128xf32> -> vector<1000x128xf32>
    %get3A_9 = arith.constant 0 : index
    %get3A_10 = arith.constant 0 : index
    %get3A_11 = vector.load %arg4[%get3A_9, %get3A_10] : memref<1x128xf32, #tpu.memory_space<vmem>>, vector<1x128xf32>
    %add3A = vector.broadcast %get3A_11 : vector<1x128xf32> to vector<1000x128xf32>
    %add3A_12 = arith.addf %dot_general3A_8, %add3A : vector<1000x128xf32>
    %get3A_13 = arith.constant 0 : index
    %get3A_14 = arith.constant 0 : index
    %get3A_15 = vector.load %arg5[%get3A_13, %get3A_14] : memref<256x128xf32, #tpu.memory_space<vmem>>, vector<128x128xf32>
    %dot_general3A_16 = arith.constant dense<0.000000e+00> : vector<1000x128xf32>
    %dot_general3A_17 = tpu.matmul %get3A_1, %get3A_15, %dot_general3A_16 {dimension_numbers = #tpu.dot_dimension_numbers<[1], [0], [0], [1], [0, 0, 1, 1], [], []>, transpose_lhs_hint = false} : vector<1000x128xf32>, vector<128x128xf32>, vector<1000x128xf32> -> vector<1000x128xf32>
    %get3A_18 = arith.constant 128 : index
    %get3A_19 = arith.constant 0 : index
    %get3A_20 = vector.load %arg5[%get3A_18, %get3A_19] : memref<256x128xf32, #tpu.memory_space<vmem>>, vector<128x128xf32>
    %dot_general3A_21 = arith.constant dense<0.000000e+00> : vector<1000x128xf32>
    %dot_general3A_22 = tpu.matmul %add3A_12, %get3A_20, %dot_general3A_21 {dimension_numbers = #tpu.dot_dimension_numbers<[1], [0], [0], [1], [0, 0, 1, 1], [], []>, transpose_lhs_hint = false} : vector<1000x128xf32>, vector<128x128xf32>, vector<1000x128xf32> -> vector<1000x128xf32>
    %add3A_23 = arith.addf %dot_general3A_17, %dot_general3A_22 : vector<1000x128xf32>
    %get3A_24 = arith.constant 0 : index
    %get3A_25 = arith.constant 0 : index
    %get3A_26 = vector.load %arg6[%get3A_24, %get3A_25] : memref<1x128xf32, #tpu.memory_space<vmem>>, vector<1x128xf32>
    %add3A_27 = vector.broadcast %get3A_26 : vector<1x128xf32> to vector<1000x128xf32>
    %add3A_28 = arith.addf %add3A_23, %add3A_27 : vector<1000x128xf32>
    %max3A = arith.constant 0.000000e+00 : f32
    %max3A_29 = vector.broadcast %max3A : f32 to vector<1000x128xf32>
    %max3A_30 = arith.maximumf %add3A_28, %max3A_29 : vector<1000x128xf32>
    %add3A_31 = arith.addf %max3A_30, %add3A_12 : vector<1000x128xf32>
    %swap3A = arith.constant 0 : index
    %swap3A_32 = arith.constant 0 : index
    %swap3A_33 = vector.load %arg9[%swap3A, %swap3A_32] : memref<1000x128xf32, #tpu.memory_space<vmem>>, vector<1000x128xf32>
    tpu.vector_store %arg9[%swap3A, %swap3A_32], %add3A_31 {strides = array<i32>} : memref<1000x128xf32, #tpu.memory_space<vmem>>, vector<1000x128xf32>,
    %get3A_34 = arith.constant 0 : index
    %get3A_35 = arith.constant 0 : index
    %get3A_36 = vector.load %arg7[%get3A_34, %get3A_35] : memref<128x128xf32, #tpu.memory_space<vmem>>, vector<128x128xf32>
    %dot_general3A_37 = arith.constant dense<0.000000e+00> : vector<1000x128xf32>
    %dot_general3A_38 = tpu.matmul %get3A_1, %get3A_36, %dot_general3A_37 {dimension_numbers = #tpu.dot_dimension_numbers<[1], [0], [0], [1], [0, 0, 1, 1], [], []>, transpose_lhs_hint = false} : vector<1000x128xf32>, vector<128x128xf32>, vector<1000x128xf32> -> vector<1000x128xf32>
    %swap3A_39 = arith.constant 0 : index
    %swap3A_40 = arith.constant 0 : index
    %swap3A_41 = vector.load %arg10[%swap3A_39, %swap3A_40] : memref<1000x128xf32, #tpu.memory_space<vmem>>, vector<1000x128xf32>
    tpu.vector_store %arg10[%swap3A_39, %swap3A_40], %dot_general3A_38 {strides = array<i32>} : memref<1000x128xf32, #tpu.memory_space<vmem>>, vector<1000x128xf32>,
    %get3A_42 = arith.constant 0 : index
    %get3A_43 = arith.constant 0 : index
    %get3A_44 = vector.load %arg8[%get3A_42, %get3A_43] : memref<128x128xf32, #tpu.memory_space<vmem>>, vector<128x128xf32>
    %dot_general3A_45 = arith.constant dense<0.000000e+00> : vector<1000x128xf32>
    %dot_general3A_46 = tpu.matmul %get3A_1, %get3A_44, %dot_general3A_45 {dimension_numbers = #tpu.dot_dimension_numbers<[1], [0], [0], [1], [0, 0, 1, 1], [], []>, transpose_lhs_hint = false} : vector<1000x128xf32>, vector<128x128xf32>, vector<1000x128xf32> -> vector<1000x128xf32>
    %swap3A_47 = arith.constant 0 : index
    %swap3A_48 = arith.constant 0 : index
    %swap3A_49 = vector.load %arg11[%swap3A_47, %swap3A_48] : memref<1000x128xf32, #tpu.memory_space<vmem>>, vector<1000x128xf32>
    tpu.vector_store %arg11[%swap3A_47, %swap3A_48], %dot_general3A_46 {strides = array<i32>} : memref<1000x128xf32, #tpu.memory_space<vmem>>, vector<1000x128xf32>,
    return
  }
  func.func @transform_0(%arg0: i32) -> (i32, i32) {
    %c0_i32 = arith.constant 0 : i32
    %c0_i32_0 = arith.constant 0 : i32
    return %arg0, %c0_i32 : i32, i32
  }
  func.func @transform_1(%arg0: i32) -> (i32, i32) {
    %c0_i32 = arith.constant 0 : i32
    %c0_i32_0 = arith.constant 0 : i32
    return %arg0, %c0_i32 : i32, i32
  }
  func.func @transform_2(%arg0: i32) -> (i32, i32) {
    %c0_i32 = arith.constant 0 : i32
    %c0_i32_0 = arith.constant 0 : i32
    %c0_i32_1 = arith.constant 0 : i32
    return %c0_i32, %c0_i32_0 : i32, i32
  }
  func.func @transform_3(%arg0: i32) -> (i32, i32) {
    %c0_i32 = arith.constant 0 : i32
    %c0_i32_0 = arith.constant 0 : i32
    %c0_i32_1 = arith.constant 0 : i32
    return %c0_i32, %c0_i32_0 : i32, i32
  }
  func.func @transform_4(%arg0: i32) -> (i32, i32) {
    %c0_i32 = arith.constant 0 : i32
    %c0_i32_0 = arith.constant 0 : i32
    %c0_i32_1 = arith.constant 0 : i32
    return %c0_i32, %c0_i32_0 : i32, i32
  }
  func.func @transform_5(%arg0: i32) -> (i32, i32) {
    %c0_i32 = arith.constant 0 : i32
    %c0_i32_0 = arith.constant 0 : i32
    %c0_i32_1 = arith.constant 0 : i32
    return %c0_i32, %c0_i32_0 : i32, i32
  }
  func.func @transform_6(%arg0: i32) -> (i32, i32) {
    %c0_i32 = arith.constant 0 : i32
    %c0_i32_0 = arith.constant 0 : i32
    %c0_i32_1 = arith.constant 0 : i32
    return %c0_i32, %c0_i32_0 : i32, i32
  }
  func.func @transform_7(%arg0: i32) -> (i32, i32) {
    %c0_i32 = arith.constant 0 : i32
    %c0_i32_0 = arith.constant 0 : i32
    %c0_i32_1 = arith.constant 0 : i32
    return %c0_i32, %c0_i32_0 : i32, i32
  }
  func.func @transform_8(%arg0: i32) -> (i32, i32) {
    %c0_i32 = arith.constant 0 : i32
    %c0_i32_0 = arith.constant 0 : i32
    return %arg0, %c0_i32 : i32, i32
  }
  func.func @transform_9(%arg0: i32) -> (i32, i32) {
    %c0_i32 = arith.constant 0 : i32
    %c0_i32_0 = arith.constant 0 : i32
    return %arg0, %c0_i32 : i32, i32
  }
  func.func @transform_10(%arg0: i32) -> (i32, i32) {
    %c0_i32 = arith.constant 0 : i32
    %c0_i32_0 = arith.constant 0 : i32
    return %arg0, %c0_i32 : i32, i32
  }
}

module attributes {stable_mosaic.version = 14 : i64} {
  func.func @_tc2_body(%arg0: i32, %arg1: memref<1280x128xf32, #tpu.memory_space<vmem>>, %arg2: memref<1280x128xf32, #tpu.memory_space<vmem>>, %arg3: memref<128x128xf32, #tpu.memory_space<vmem>>, %arg4: memref<1x128xf32, #tpu.memory_space<vmem>>, %arg5: memref<1280x1xf32, #tpu.memory_space<vmem>>, %arg6: memref<1280x128xf32, #tpu.memory_space<vmem>>) attributes {dimension_semantics = [#tpu.dimension_semantics<arbitrary>], iteration_bounds = array<i64: 64>, scalar_prefetch = 0 : i64, scratch_operands = 0 : i64, tpu.core_type = #tpu.core_type<tc>, window_params = [{transform_indices = @transform_0, window_bounds = array<i64: 1280, 128>}, {transform_indices = @transform_1, window_bounds = array<i64: 1280, 128>}, {pipeline_mode = #tpu.pipeline_mode<synchronous>, transform_indices = @transform_2, window_bounds = array<i64: 128, 128>}, {pipeline_mode = #tpu.pipeline_mode<synchronous>, transform_indices = @transform_3, window_bounds = array<i64: 1, 128>}, {transform_indices = @transform_4, window_bounds = array<i64: 1280, 1>}, {transform_indices = @transform_5, window_bounds = array<i64: 1280, 128>}]} {
    %get3A = arith.constant 0 : index
    %get3A_0 = arith.constant 0 : index
    %get3A_1 = vector.load %arg2[%get3A, %get3A_0] : memref<1280x128xf32, #tpu.memory_space<vmem>>, vector<1280x128xf32>
    %get3A_2 = arith.constant 0 : index
    %get3A_3 = arith.constant 0 : index
    %get3A_4 = vector.load %arg1[%get3A_2, %get3A_3] : memref<1280x128xf32, #tpu.memory_space<vmem>>, vector<1280x128xf32>
    %get3A_5 = arith.constant 0 : index
    %get3A_6 = arith.constant 0 : index
    %get3A_7 = vector.load %arg3[%get3A_5, %get3A_6] : memref<128x128xf32, #tpu.memory_space<vmem>>, vector<128x128xf32>
    %dot_general3A = arith.constant dense<0.000000e+00> : vector<1280x128xf32>
    %dot_general3A_8 = tpu.matmul %get3A_1, %get3A_7, %dot_general3A {dimension_numbers = #tpu.dot_dimension_numbers<[1], [0], [0], [1], [0, 0, 1, 1], [], []>, transpose_lhs_hint = false} : vector<1280x128xf32>, vector<128x128xf32>, vector<1280x128xf32> -> vector<1280x128xf32>
    %add3A = arith.addf %get3A_4, %dot_general3A_8 : vector<1280x128xf32>
    %get3A_9 = arith.constant 0 : index
    %get3A_10 = arith.constant 0 : index
    %get3A_11 = vector.load %arg4[%get3A_9, %get3A_10] : memref<1x128xf32, #tpu.memory_space<vmem>>, vector<1x128xf32>
    %add3A_12 = vector.broadcast %get3A_11 : vector<1x128xf32> to vector<1280x128xf32>
    %add3A_13 = arith.addf %add3A, %add3A_12 : vector<1280x128xf32>
    %max3A = arith.constant 0.000000e+00 : f32
    %max3A_14 = vector.broadcast %max3A : f32 to vector<1280x128xf32>
    %max3A_15 = arith.maximumf %add3A_13, %max3A_14 : vector<1280x128xf32>
    %add3A_16 = arith.addf %max3A_15, %get3A_1 : vector<1280x128xf32>
    %get3A_17 = arith.constant 0 : index
    %get3A_18 = arith.constant 0 : index
    %get3A_19 = vector.load %arg5[%get3A_17, %get3A_18] : memref<1280x1xf32, #tpu.memory_space<vmem>>, vector<1280x1xf32>
    %mul3A = vector.broadcast %get3A_19 : vector<1280x1xf32> to vector<1280x128xf32>
    %mul3A_20 = arith.mulf %add3A_16, %mul3A : vector<1280x128xf32>
    %swap3A = arith.constant 0 : index
    %swap3A_21 = arith.constant 0 : index
    %swap3A_22 = vector.load %arg6[%swap3A, %swap3A_21] : memref<1280x128xf32, #tpu.memory_space<vmem>>, vector<1280x128xf32>
    tpu.vector_store %arg6[%swap3A, %swap3A_21], %mul3A_20 {strides = array<i32>} : memref<1280x128xf32, #tpu.memory_space<vmem>>, vector<1280x128xf32>,
    return
  }
  func.func @transform_0(%arg0: i32) -> (i32, i32) {
    %c0_i32 = arith.constant 0 : i32
    %c0_i32_0 = arith.constant 0 : i32
    return %arg0, %c0_i32 : i32, i32
  }
  func.func @transform_1(%arg0: i32) -> (i32, i32) {
    %add3A = arith.constant 0 : i32
    %add3A_0 = arith.addi %add3A, %arg0 : i32
    %c0_i32 = arith.constant 0 : i32
    %c0_i32_1 = arith.constant 0 : i32
    return %add3A_0, %c0_i32 : i32, i32
  }
  func.func @transform_2(%arg0: i32) -> (i32, i32) {
    %c0_i32 = arith.constant 0 : i32
    %c0_i32_0 = arith.constant 0 : i32
    %c0_i32_1 = arith.constant 0 : i32
    return %c0_i32, %c0_i32_0 : i32, i32
  }
  func.func @transform_3(%arg0: i32) -> (i32, i32) {
    %c0_i32 = arith.constant 0 : i32
    %c0_i32_0 = arith.constant 0 : i32
    %c0_i32_1 = arith.constant 0 : i32
    return %c0_i32, %c0_i32_0 : i32, i32
  }
  func.func @transform_4(%arg0: i32) -> (i32, i32) {
    %add3A = arith.constant 0 : i32
    %add3A_0 = arith.addi %add3A, %arg0 : i32
    %c0_i32 = arith.constant 0 : i32
    %c0_i32_1 = arith.constant 0 : i32
    return %add3A_0, %c0_i32 : i32, i32
  }
  func.func @transform_5(%arg0: i32) -> (i32, i32) {
    %add3A = arith.constant 0 : i32
    %add3A_0 = arith.addi %add3A, %arg0 : i32
    %c0_i32 = arith.constant 0 : i32
    %c0_i32_1 = arith.constant 0 : i32
    return %add3A_0, %c0_i32 : i32, i32
  }
}

module attributes {stable_mosaic.version = 14 : i64} {
  func.func @_lambda_(%arg0: i32, %arg1: memref<160000x128xf32, #tpu.memory_space<hbm>>, %arg2: memref<1280x128xf32, #tpu.memory_space<vmem>>, %arg3: memref<1280x128xf32, #tpu.memory_space<vmem>>, %arg4: memref<128x128xf32, #tpu.memory_space<vmem>>, %arg5: memref<1x128xf32, #tpu.memory_space<vmem>>, %arg6: memref<1280x1xf32, #tpu.memory_space<vmem>>, %arg7: memref<1280x128xf32, #tpu.memory_space<vmem>>) attributes {dimension_semantics = [#tpu.dimension_semantics<arbitrary>], iteration_bounds = array<i64: 61>, scalar_prefetch = 0 : i64, scratch_operands = 0 : i64, tpu.core_type = #tpu.core_type<tc>, window_params = [{}, {transform_indices = @transform_1, window_bounds = array<i64: 1280, 128>}, {transform_indices = @transform_2, window_bounds = array<i64: 1280, 128>}, {pipeline_mode = #tpu.pipeline_mode<synchronous>, transform_indices = @transform_3, window_bounds = array<i64: 128, 128>}, {pipeline_mode = #tpu.pipeline_mode<synchronous>, transform_indices = @transform_4, window_bounds = array<i64: 1, 128>}, {transform_indices = @transform_5, window_bounds = array<i64: 1280, 1>}, {transform_indices = @transform_6, window_bounds = array<i64: 1280, 128>}]} {
    %get3A = arith.constant 0 : index
    %get3A_0 = arith.constant 0 : index
    %get3A_1 = vector.load %arg3[%get3A, %get3A_0] : memref<1280x128xf32, #tpu.memory_space<vmem>>, vector<1280x128xf32>
    %get3A_2 = arith.constant 0 : index
    %get3A_3 = arith.constant 0 : index
    %get3A_4 = vector.load %arg2[%get3A_2, %get3A_3] : memref<1280x128xf32, #tpu.memory_space<vmem>>, vector<1280x128xf32>
    %get3A_5 = arith.constant 0 : index
    %get3A_6 = arith.constant 0 : index
    %get3A_7 = vector.load %arg4[%get3A_5, %get3A_6] : memref<128x128xf32, #tpu.memory_space<vmem>>, vector<128x128xf32>
    %dot_general3A = arith.constant dense<0.000000e+00> : vector<1280x128xf32>
    %dot_general3A_8 = tpu.matmul %get3A_1, %get3A_7, %dot_general3A {dimension_numbers = #tpu.dot_dimension_numbers<[1], [0], [0], [1], [0, 0, 1, 1], [], []>, transpose_lhs_hint = false} : vector<1280x128xf32>, vector<128x128xf32>, vector<1280x128xf32> -> vector<1280x128xf32>
    %add3A = arith.addf %get3A_4, %dot_general3A_8 : vector<1280x128xf32>
    %get3A_9 = arith.constant 0 : index
    %get3A_10 = arith.constant 0 : index
    %get3A_11 = vector.load %arg5[%get3A_9, %get3A_10] : memref<1x128xf32, #tpu.memory_space<vmem>>, vector<1x128xf32>
    %add3A_12 = vector.broadcast %get3A_11 : vector<1x128xf32> to vector<1280x128xf32>
    %add3A_13 = arith.addf %add3A, %add3A_12 : vector<1280x128xf32>
    %max3A = arith.constant 0.000000e+00 : f32
    %max3A_14 = vector.broadcast %max3A : f32 to vector<1280x128xf32>
    %max3A_15 = arith.maximumf %add3A_13, %max3A_14 : vector<1280x128xf32>
    %add3A_16 = arith.addf %max3A_15, %get3A_1 : vector<1280x128xf32>
    %get3A_17 = arith.constant 0 : index
    %get3A_18 = arith.constant 0 : index
    %get3A_19 = vector.load %arg6[%get3A_17, %get3A_18] : memref<1280x1xf32, #tpu.memory_space<vmem>>, vector<1280x1xf32>
    %mul3A = vector.broadcast %get3A_19 : vector<1280x1xf32> to vector<1280x128xf32>
    %mul3A_20 = arith.mulf %add3A_16, %mul3A : vector<1280x128xf32>
    %swap3A = arith.constant 0 : index
    %swap3A_21 = arith.constant 0 : index
    %swap3A_22 = vector.load %arg7[%swap3A, %swap3A_21] : memref<1280x128xf32, #tpu.memory_space<vmem>>, vector<1280x128xf32>
    tpu.vector_store %arg7[%swap3A, %swap3A_21], %mul3A_20 {strides = array<i32>} : memref<1280x128xf32, #tpu.memory_space<vmem>>, vector<1280x128xf32>,
    return
  }
  func.func @transform_1(%arg0: i32) -> (i32, i32) {
    %c0_i32 = arith.constant 0 : i32
    %c0_i32_0 = arith.constant 0 : i32
    return %arg0, %c0_i32 : i32, i32
  }
  func.func @transform_2(%arg0: i32) -> (i32, i32) {
    %add3A = arith.constant 64 : i32
    %add3A_0 = arith.addi %add3A, %arg0 : i32
    %c0_i32 = arith.constant 0 : i32
    %c0_i32_1 = arith.constant 0 : i32
    return %add3A_0, %c0_i32 : i32, i32
  }
  func.func @transform_3(%arg0: i32) -> (i32, i32) {
    %c0_i32 = arith.constant 0 : i32
    %c0_i32_0 = arith.constant 0 : i32
    %c0_i32_1 = arith.constant 0 : i32
    return %c0_i32, %c0_i32_0 : i32, i32
  }
  func.func @transform_4(%arg0: i32) -> (i32, i32) {
    %c0_i32 = arith.constant 0 : i32
    %c0_i32_0 = arith.constant 0 : i32
    %c0_i32_1 = arith.constant 0 : i32
    return %c0_i32, %c0_i32_0 : i32, i32
  }
  func.func @transform_5(%arg0: i32) -> (i32, i32) {
    %add3A = arith.constant 64 : i32
    %add3A_0 = arith.addi %add3A, %arg0 : i32
    %c0_i32 = arith.constant 0 : i32
    %c0_i32_1 = arith.constant 0 : i32
    return %add3A_0, %c0_i32 : i32, i32
  }
  func.func @transform_6(%arg0: i32) -> (i32, i32) {
    %add3A = arith.constant 64 : i32
    %add3A_0 = arith.addi %add3A, %arg0 : i32
    %c0_i32 = arith.constant 0 : i32
    %c0_i32_1 = arith.constant 0 : i32
    return %add3A_0, %c0_i32 : i32, i32
  }
}

</mosaic_0001>

<sc_bundles>
// kernel: kernel.10.cloned.1.call-start
scs
__scs_entry_jumppad:
0x0: {  	(pc) =	sbr.rel $0x88, $3  }
0x1: {  	(tag) =	ssettag $0x0;
	lr =	simm.s32 $0x1  }
0x2: {  	[smem:$0x3F96] =	sst lr;
	_ =	strace $0xD0000000  }
0x3: {  	_ = 	snop  }
0x4: {  	_ = 	snop  }
0x5: {  	_ = 	snop  }
0x6: {  	_ = 	snop  }
0x7: {  	_ = 	snop  }
__scs_overlays_trampoline_lowered:
0x8: {  	[smem:$0x3FA5] =	sst s0  }
0x9: {  	[smem:$0x3FA6] =	sst s1  }
0xa: {  	[smem:$0x3FA7] =	sst s2  }
0xb: {  	[smem:$0x3FA8] =	sst s3  }
0xc: {  	[smem:$0x3FA9] =	sst s4  }
0xd: {  	[smem:$0x3FAA] =	sst s5  }
0xe: {  	[smem:$0x3FAB] =	sst s6  }
0xf: {  	[smem:$0x3FAC] =	sst s7  }
0x10: {  	[smem:$0x3FAD] =	sst s8  }
0x11: {  	[smem:$0x3FAE] =	sst s9;
	s0 =	simm.s32 @!p0 $0x0  }
0x12: {  	s1 =	sld [smem:$0x3F94];
	s0 =	simm.s32 @p0 $0x1  }
0x13: {  	[smem:$0x3FAF] =	sst s0;
	s0 =	simm.s32 @!p1 $0x0  }
0x14: {  	s2 =	sld [smem:$0x3F93];
	s0 =	simm.s32 @p1 $0x1  }
0x15: {  	[smem:$0x3FB0] =	sst s0;
	s0 =	simm.s32 @!p2 $0x0  }
0x16: {  	s3 =	sld [smem:$0x3FDB];
	s0 =	simm.s32 @p2 $0x1  }
0x17: {  	s4 =	simm.s32 $0x1BF5;
	[smem:$0x3FB2] =	sst s0  }
0x18: {  	s0 =	sld [smem:$0x3F95];
	_ =	swait.ge [sflag:s4], $0x0  }
0x19: {  	s7 =	sld [smem:$0x3F96]  }
0x1a: {  	s8 =	sadd.s32 $0xFFFFE003, lr  }
0x1b: {  	s9 =	sadd.s32 $0xFFFFFEF7, lr;
	s5 =	simm.s32 $0xFFFFFFFF;
	p2 =	slt.u32 s8, $0xFFFFF086  }
0x1c: {  	p1 =	slt.u32 s9, $0xF7A;
	s5 =	simm.s32 @!p2 $0x0  }
0x1d: {  	s5 =	simm.s32 @p1 $0x1;
	p0 =	seq.s32 s7, s2  }
0x1e: {  	s7 =	smul.u32 @!p0 $0xF7A, s2;
	p2 =	seq.s32 @!p0 s5, $0x0  }
0x1f: {  	s9 =	smul.u32 $0xF7A, s1;
	s8 =	simm.s32 @!p0 $0x1BF5;
	p2 =	por !p2, p0  }
0x20: {  	[sflag:s8] =	ssyncset.s32 @!p0 $0xFFFFF086;
	s6 =	sadd.s32 @!p0 s3, s7;
	s7 =	simm.s32 @!p0 $0x108  }
0x21: {  	s3 =	sadd.s32 s3, s9;
	s6 =	sadd.s32 @!p0 $0x88, s6;
	s7 =	simm.s32 @p2 $0x1082  }
0x22: {  	[simem:s7], [sflag:s8] =	dma.local @!p0 [hbm:s6], $0xF7A  }
0x23: {  	s9 =	sor.u32 $0xD0000000, s2;
	s6 =	simm.s32 $0x108;
	_ =	swait.ge @!p0 [sflag:s8], $0x0  }
0x24: {  	s3 =	sadd.s32 $0x88, s3;
	s6 =	simm.s32 @!p1 $0x1082;
	[sflag:s4] =	ssyncset.s32 $0xFFFFF086  }
0x25: {  	[simem:s6], [sflag:s4] =	dma.local [hbm:s3], $0xF7A  }
0x26: {  	[smem:$0x3F96] =	sst s1;
	(tag) =	ssettag s2;
	_ =	strace s9  }
0x27: {  	s1 =	sld [smem:$0x3FA6]  }
0x28: {  	s2 =	sld [smem:$0x3FA7]  }
0x29: {  	s4 =	sld [smem:$0x3FA9]  }
0x2a: {  	p0 =	seq.s32 s5, $0x0;
	s5 =	sld [smem:$0x3FAA]  }
0x2b: {  	s6 =	sld [smem:$0x3FAB]  }
0x2c: {  	s7 =	sld [smem:$0x3FAC]  }
0x2d: {  	s3 =	simm.s32 $0x108;
	s8 =	sld [smem:$0x3FAD]  }
0x2e: {  	s3 =	simm.s32 @!p0 $0x1082;
	s9 =	sld [smem:$0x3FAE]  }
0x2f: {  	lr =	sadd.s32 s0, s3;
	s0 =	sld [smem:$0x3FA5]  }
0x30: {  	s3 =	sld [smem:$0x3FA8]  }
0x31: {  	[smem:$0x3FB1] =	sst s10  }
0x32: {  	s10 =	sld [smem:$0x3FAF];
	_ =	sdelay $0x3  }
0x33: {  	p0 =	seq.s32 s10, $0x1;
	s10 =	sld [smem:$0x3FB1];
	_ =	sdelay $0x3  }
0x34: {  	[smem:$0x3FB1] =	sst s10  }
0x35: {  	s10 =	sld [smem:$0x3FB0];
	_ =	sdelay $0x3  }
0x36: {  	p1 =	seq.s32 s10, $0x1;
	s10 =	sld [smem:$0x3FB1];
	_ =	sdelay $0x3  }
0x37: {  	[smem:$0x3FB1] =	sst s10  }
0x38: {  	s10 =	sld [smem:$0x3FB2]  }
0x39: {  	_ = 	snop;
	(pc) =	sbr.ind lr, $3  }
0x3a: {  	_ = 	snop  }
0x3b: {  	_ = 	snop  }
0x3c: {  	p2 =	seq.s32 s10, $0x1;
	s10 =	sld [smem:$0x3FB1]  }
0x3d: {  	_ =	shalt  }
0x3e: {  	_ =	shalt  }
0x3f: {  	_ =	shalt  }
0x40: {  	_ =	shalt  }
0x41: {  	_ =	shalt  }
0x42: {  	_ =	shalt  }
0x43: {  	_ =	shalt  }
0x44: {  	_ =	shalt  }
0x45: {  	_ =	shalt  }
0x46: {  	_ =	shalt  }
0x47: {  	_ =	shalt  }
0x48: {  	_ =	shalt  }
0x49: {  	_ =	shalt  }
0x4a: {  	_ =	shalt  }
0x4b: {  	_ =	shalt  }
0x4c: {  	_ =	shalt  }
0x4d: {  	_ =	shalt  }
0x4e: {  	_ =	shalt  }
0x4f: {  	_ =	shalt  }
0x50: {  	_ =	shalt  }
0x51: {  	_ =	shalt  }
0x52: {  	_ =	shalt  }
0x53: {  	_ =	shalt  }
0x54: {  	_ =	shalt  }
0x55: {  	_ =	shalt  }
0x56: {  	_ =	shalt  }
0x57: {  	_ =	shalt  }
0x58: {  	_ =	shalt  }
0x59: {  	_ =	shalt  }
0x5a: {  	_ =	shalt  }
0x5b: {  	_ =	shalt  }
0x5c: {  	_ =	shalt  }
0x5d: {  	_ =	shalt  }
0x5e: {  	_ =	shalt  }
0x5f: {  	_ =	shalt  }
0x60: {  	_ =	shalt  }
0x61: {  	_ =	shalt  }
0x62: {  	_ =	shalt  }
0x63: {  	_ =	shalt  }
0x64: {  	_ =	shalt  }
0x65: {  	_ =	shalt  }
0x66: {  	_ =	shalt  }
0x67: {  	_ =	shalt  }
0x68: {  	_ =	shalt  }
0x69: {  	_ =	shalt  }
0x6a: {  	_ =	shalt  }
0x6b: {  	_ =	shalt  }
0x6c: {  	_ =	shalt  }
0x6d: {  	_ =	shalt  }
0x6e: {  	_ =	shalt  }
0x6f: {  	_ =	shalt  }
0x70: {  	_ =	shalt  }
0x71: {  	_ =	shalt  }
0x72: {  	_ =	shalt  }
0x73: {  	_ =	shalt  }
0x74: {  	_ =	shalt  }
0x75: {  	_ =	shalt  }
0x76: {  	_ =	shalt  }
0x77: {  	_ =	shalt  }
0x78: {  	_ =	shalt  }
0x79: {  	_ =	shalt  }
0x7a: {  	_ =	shalt  }
0x7b: {  	_ =	shalt  }
0x7c: {  	_ =	shalt  }
0x7d: {  	_ =	shalt  }
0x7e: {  	_ =	shalt  }
0x7f: {  	_ =	shalt  }
0x80: {  	_ =	shalt  }
0x81: {  	_ =	shalt  }
0x82: {  	_ =	shalt  }
0x83: {  	_ =	shalt  }
0x84: {  	_ =	shalt  }
0x85: {  	_ =	shalt  }
0x86: {  	_ =	shalt  }
0x87: {  	_ =	shalt  }
.Lfunc_end0:
.L_simem_size_0:
called_computation.1_lowered:
.L_overlay_start_0:
0x88: {  	s2 =	sld [smem:$0x3FD9]  }
0x89: {  	s3 =	sld [smem:$0x3FFE];
	_ =	sdelay $0x1  }
0x8a: {  	s1 =	srdreg.scid  }
0x8b: {  	s0 =	sand.u32 $0x1, s1  }
0x8c: {  	s14 =	sshll.u32 s0, $0xA;
	s2 =	sadd.s32 s3, s2  }
0x8d: {  	s2 =	sadd.s32 s2, s14  }
0x8e: {  	[smem:$0x3FBD] =	sst s2  }
0x8f: {  	_ = 	snop  }
0x90: {  	s2 =	sld [smem:$0x3FD0];
	_ =	sdelay $0x2  }
0x91: {  	s15 =	simm.s32 $0xB;
	s4 =	simm.s32 $0x10  }
0x92: {  	[smem:s4], [sflag:s15] =	dma.local [hbm:s2], $0x1  }
0x93: {  	_ =	swait.eq [sflag:s15], $0x1  }
0x94: {  	[sflag:s15] =	ssyncset.done $0x0  }
0x95: {  	s16 =	sld [smem:$0x10];
	[sflag:s15] =	ssyncadd.s32 $0xFFFFFFFF  }
0x96: {  	s17 =	sld [smem:$0x12];
	(tm) =	ssettm $0x1  }
0x97: {  	s18 =	sld [smem:$0x3FFB];
	_ =	sdelay $0x3  }
0x98: {  	_ =	strace s18  }
0x99: {  	s4 =	sld [smem:$0x3FFC];
	_ =	sdelay $0x3  }
0x9a: {  	_ =	strace s4  }
0x9b: {  	s4 =	sld [smem:$0x3FFD];
	_ =	sdelay $0x3  }
0x9c: {  	_ =	strace s4  }
0x9d: {  	_ =	strace $0x8FFFFFFF  }
0x9e: {  	s19 =	sld [smem:$0x3FDB];
	_ =	sdelay $0x1  }
0x9f: {  	s5 =	simm.s32 $_scs_section_size  }
0xa0: {  	s6 =	simm.s32 $_size__tile_overlayer_lowered;
	s7 =	simm.s32 $_tile_overlayer_lowered  }
0xa1: {  	s22 =	simm.s32 $0x1BFF;
	s21 =	sshll.u32 s7, $0x1;
	s4 =	sadd.s32 s5, s19  }
0xa2: {  	s8 =	simm.s32 $0x0;
	s20 =	sshll.u32 s6, $0x1;
	s6 =	sadd.s32 s21, s4  }
0xa3: {  	[timem:s8], [sflag:s22] =	dma.local [hbm:s6], s20  }
0xa4: {  	_ =	swait.ge [sflag:s22], s20  }
0xa5: {  	s5 =	ssub.s32 $0x0, s20;
	[sflag:s22] =	ssyncset.done $0x0  }
0xa6: {  	[sflag:s22] =	ssyncadd.s32 s5;
	_ =	sdelay $0x1  }
0xa7: {  	s23 =	simm.s32 $0x1B8B  }
0xa8: {  	_ =	swait.ge [sflag:s23], $0x1  }
0xa9: {  	[sflag:s23] =	ssyncset.done $0x0  }
0xaa: {  	s25 =	simm.s32 $0x1B8E;
	s24 =	sld [smem:$0x3FFE];
	[sflag:s23] =	ssyncadd.s32 $0xFFFFFFFF  }
0xab: {  	s26 =	simm.s32 $execute0_lowered;
	[smem:$0x3FD2] =	sst s25  }
0xac: {  	s6 =	sshll.u32 s26, $0x1;
	_ =	strace $0x80000046;
	[dreg:$0x1] =	wrdreg $0xFFFFFFFF  }
0xad: {  	s28 =	simm.s32 $_size_execute0_lowered;
	s4 =	sadd.s32 s4, s6;
	[dreg:$0x0] =	wrdreg $0x0  }
0xae: {  	s6 =	sshll.u32 s28, $0x1;
	[dreg:$0x2] =	wrdreg s4  }
0xaf: {  	[dreg:$0x3] =	wrdreg s6  }
0xb0: {  	[dreg:$0x4] =	wrdreg $0xC0  }
0xb1: {  	_ =	task [dreg:s8], $0x5FFFF  }
0xb2: {  	[dreg:$0x1] =	wrdreg $0xFFFFFFFF  }
0xb3: {  	[dreg:$0x0] =	wrdreg $0x60  }
0xb4: {  	[dreg:$0x2] =	wrdreg s16  }
0xb5: {  	[dreg:$0x3] =	wrdreg s17  }
0xb6: {  	[dreg:$0x4] =	wrdreg s24  }
0xb7: {  	[dreg:$0x5] =	wrdreg $0xA  }
0xb8: {  	_ =	task.clear_ibuf [dreg:s8], $0x6FFFF;
	_ =	strace $0x90000046  }
0xb9: {  	s29 =	simm.s32 $0xA;
	_ =	strace $0x80000048  }
0xba: {  	_ =	swait.ge [sflag:s29], $0x1  }
0xbb: {  	[sflag:s29] =	ssyncadd.s32 $0xFFFFFFFF  }
0xbc: {  	_ =	strace $0x90000048  }
0xbd: {  	_ =	sfence  }
0xbe: {  	s30 =	sld [smem:$0x0];
	_ =	sdelay $0x2  }
0xbf: {  	s31 =	sshll.u32 s1, $0xD;
	s1 =	sshrl.u32 s1, $0x2  }
0xc0: {  	s3 =	sand.u32 $0x4000, s31;
	s1 =	sadd.s32 s1, s30  }
0xc1: {  	s0 =	sor.u32 s3, s0;
	s1 =	sshll.u32 s1, $0x11  }
0xc2: {  	s0 =	sor.u32 s1, s0  }
0xc3: {  	s0 =	sadd.s32 $0x8F2B, s0  }
0xc4: {  	[sflag:s0] =	ssyncadd.remote.s32 $0x1  }
0xc5: {  	_ =	sfence.sel $0xFFFF  }
0xc6: {  	[dreg:$0x0] =	wrdreg $0xFFFFFFFF;
	(pc) =	sbr.abs _section_cstart, $3  }
0xc7: {  	[dreg:$0x1] =	wrdreg $0xFFFFFFFF  }
0xc8: {  	_ =	task.clear_ibuf [dreg:s8], $0x2FFFF;
	_ =	strace $0x9FFFFFFF  }
0xc9: {  	(tm) =	ssettm $0x7FFFFFFF  }
tec
execute0_lowered:
.L_overlay_start_1:
0x0: {  	(tag) =	ssettag $0x1  }
0x1: {  	s1 =	rddreg [dreg:$0x0];
	s2 =	srdreg.scid  }
0x2: {  	s0 =	stileid.u32;
	s3 =	rddreg [dreg:$0x1]  }
0x3: {  	s6 =	rddreg [dreg:$0x2];
	s4 =	simm.s32 $0x0;
	s11 =	simm.s32 $0xC00  }
0x4: {  	s12 =	simm.s32 $0x80;
	s13 =	simm.s32 $0x1800;
	s14 =	simm.s32 $0x5800  }
0x5: {  	s15 =	simm.s32 $0x9800;
	s16 =	simm.s32 $0xD800;
	s17 =	simm.s32 $0x1  }
0x6: {  	s18 =	simm.s32 $0x2;
	s19 =	simm.s32 $0x3;
	s20 =	simm.s32 $0x4  }
0x7: {  	s21 =	simm.s32 $0x0;
	s5 =	sand.u32 $0x1, s2;
	s31 =	sshll.u32 s0, $0x1  }
0x8: {  	s2 =	rddreg [dreg:$0x3];
	s7 =	sor.u32 s5, s31;
	s9 =	ssub.s32 $0x2, s5  }
0x9: {  	[smem:$0x7FF] =	sst s4;
	s8 =	smul.u32 $0x180, s7;
	s10 =	sshrl.u32 s9, $0x1  }
0xa: {  	_ =	strace $0x80000047;
	s5 =	sadd.s32 $0x7600, s6;
	s9 =	ssub.s32 s9, s10  }
0xb: {  	s10 =	simm.s32 $0x5;
	s8 =	sadd.s32 s8, s6;
	s6 =	smul.u32 $0x14, s7  }
0xc: {  	s9 =	smax.u32 s9, $0x1;
	s7 =	sadd.s32 $0x1600, s8;
	s8 =	sadd.s32 $0x4600, s8  }
.LBB2_1:
0xd: {  	[tilespmem:s4], [sflag:$0x5] =	stream.linear.gather [hbm4b:s7+s4], $0xA00, $0x38;
	[tilespmem:$0x11800] =	vst v63  }
0xe: {  	_ =	swait.ge [sflag:s10], $0xA00  }
0xf: {  	[sflag:s10] =	ssyncset.done $0x0  }
0x10: {  	[sflag:s10] =	ssyncadd.s32 $0xFFFFF600  }
0x11: {  	[tilespmem:s11], [sflag:$0x5] =	stream.linear.gather [hbm4b:s8+s4], $0xA00, $0x38;
	[tilespmem:$0x11800] =	vst v63  }
0x12: {  	_ =	swait.ge [sflag:s10], $0xA00  }
0x13: {  	[sflag:s10] =	ssyncset.done $0x0  }
0x14: {  	[sflag:s10] =	ssyncadd.s32 $0xFFFFF600  }
0x15: {  	[tilespmem:s13], [sflag:$0x1] =	stream.indirect.gather [hbm4b:s1+s12], $0x80, s4, s12, $0xb8;
	[tilespmem:$0x11800] =	vst v63  }
0x16: {  	s22 =	simm.s32 $0x0  }
0x17: {  	[tilespmem:s14], [sflag:$0x1] =	stream.indirect.gather [hbm4b:s3+s12], $0x80, s11, s12, $0xb8;
	[tilespmem:$0x11800] =	vst v63  }
.LBB2_2:
0x18: {  	p0 =	seq.s32 s22, $0x0  }
0x19: {  	s24 =	simm.s32 @!p0 $0x4  }
0x1a: {  	_ =	swait.ge @!p0 [sflag:s24], $0x4000  }
0x1b: {  	s23 =	sshllo.u32 s22, $0x1;
	[sflag:s24] =	ssyncset.done @!p0 $0x0  }
0x1c: {  	s31 =	sshll.u32 s23, $0x7;
	[sflag:s24] =	ssyncadd.s32 @!p0 $0xFFFFC000  }
0x1d: {  	[tilespmem:s15], [sflag:$0x2] =	stream.indirect.gather [hbm4b:s1+s12], $0x80, s31, s12, $0xb8;
	[tilespmem:$0x11800] =	vst v63  }
0x1e: {  	s24 =	sadd.s32 $0xC00, s31  }
0x1f: {  	[tilespmem:s16], [sflag:$0x2] =	stream.indirect.gather [hbm4b:s3+s12], $0x80, s24, s12, $0xb8;
	[tilespmem:$0x11800] =	vst v63  }
0x20: {  	_ =	swait.ge [sflag:s17], $0x4000  }
0x21: {  	[sflag:s17] =	ssyncset.done $0x0  }
0x22: {  	[sflag:s17] =	ssyncadd.s32 $0xFFFFC000  }
0x23: {  	_ =	swait.ge [sflag:s17], $0x4000  }
0x24: {  	[sflag:s17] =	ssyncset.done $0x0  }
0x25: {  	s24 =	simm.s32 $0x0;
	[sflag:s17] =	ssyncadd.s32 $0xFFFFC000  }
0x26: {  	v7 =	vld [tilespmem:s24+$0x5800]  }
0x27: {  	v11 =	vld [tilespmem:s24+$0x5810]  }
0x28: {  	v5 =	vld [tilespmem:s24+$0x5820]  }
0x29: {  	v4 =	vld [tilespmem:s24+$0x5830]  }
0x2a: {  	v3 =	vld [tilespmem:s24+$0x5840]  }
0x2b: {  	v2 =	vld [tilespmem:s24+$0x5850]  }
0x2c: {  	v1 =	vld [tilespmem:s24+$0x5860]  }
0x2d: {  	v0 =	vld [tilespmem:s24+$0x5870]  }
0x2e: {  	v12 =	vld [tilespmem:s24+$0x1800]  }
0x2f: {  	v13 =	vld [tilespmem:s24+$0x1810]  }
0x30: {  	v10 =	vld [tilespmem:s24+$0x1820]  }
0x31: {  	v9 =	vld [tilespmem:s24+$0x1830]  }
0x32: {  	v8 =	vld [tilespmem:s24+$0x1840]  }
0x33: {  	v6 =	vld [tilespmem:s24+$0x1850];
	v12 =	vadd.f32 v7, v12  }
0x34: {  	s25 =	sshll.u32 s22, $0x1;
	s26 =	simm.s32 $0x200;
	v11 =	vadd.f32 v11, v13;
	v7 =	vld [tilespmem:s24+$0x1860]  }
.LBB2_3:
0x35: {  	s28 =	sshra.s32 s26, $0x2;
	p0 =	sne.s32 s26, $0xFE00;
	[tilespmem:s24+$0x1800] =	vst v12;
	v5 =	vadd.f32 v5, v10;
	v10 =	vld [tilespmem:s24+$0x1870]  }
0x36: {  	v12 =	vld [tilespmem:s28+$0x5800];
	[tilespmem:s24+$0x1810] =	vst v11;
	v4 =	vadd.f32 v4, v9  }
0x37: {  	v11 =	vld [tilespmem:s28+$0x5810];
	[tilespmem:s24+$0x1820] =	vst v5;
	v3 =	vadd.f32 v3, v8  }
0x38: {  	v5 =	vld [tilespmem:s28+$0x5820];
	[tilespmem:s24+$0x1830] =	vst v4;
	v2 =	vadd.f32 v2, v6  }
0x39: {  	v4 =	vld [tilespmem:s28+$0x5830];
	[tilespmem:s24+$0x1840] =	vst v3;
	v1 =	vadd.f32 v1, v7  }
0x3a: {  	v3 =	vld [tilespmem:s28+$0x5840];
	[tilespmem:s24+$0x1850] =	vst v2;
	v0 =	vadd.f32 v0, v10  }
0x3b: {  	v2 =	vld [tilespmem:s28+$0x5850];
	[tilespmem:s24+$0x1860] =	vst v1  }
0x3c: {  	v1 =	vld [tilespmem:s28+$0x5860];
	[tilespmem:s24+$0x1870] =	vst v0;
	s24 =	smov.u32 s28  }
0x3d: {  	v0 =	vld [tilespmem:s24+$0x5870]  }
0x3e: {  	v6 =	vld [tilespmem:s24+$0x1800]  }
0x3f: {  	v7 =	vld [tilespmem:s24+$0x1810]  }
.Ltmp0:
0x40: {  	v10 =	vld [tilespmem:s24+$0x1820];
	(pc) =	sbr.rel @p0 .LBB2_3-.Ltmp0, $4  }
0x41: {  	v9 =	vld [tilespmem:s24+$0x1830]  }
0x42: {  	v8 =	vld [tilespmem:s24+$0x1840]  }
0x43: {  	v12 =	vadd.f32 v12, v6;
	v6 =	vld [tilespmem:s24+$0x1850]  }
0x44: {  	s26 =	sadd.s32 $0x200, s26;
	v11 =	vadd.f32 v11, v7;
	v7 =	vld [tilespmem:s24+$0x1860]  }
0x45: {  	[tilespmem:s24+$0x1800] =	vst v12;
	v5 =	vadd.f32 v5, v10;
	v10 =	vld [tilespmem:s24+$0x1870]  }
0x46: {  	[tilespmem:s24+$0x1810] =	vst v11;
	v4 =	vadd.f32 v4, v9  }
0x47: {  	[tilespmem:s24+$0x1820] =	vst v5;
	v3 =	vadd.f32 v3, v8  }
0x48: {  	[tilespmem:s24+$0x1830] =	vst v4;
	v2 =	vadd.f32 v2, v6  }
0x49: {  	[tilespmem:s24+$0x1840] =	vst v3;
	v1 =	vadd.f32 v1, v7  }
0x4a: {  	s25 =	sadd.s32 s6, s25;
	[tilespmem:s24+$0x1850] =	vst v2;
	v0 =	vadd.f32 v0, v10  }
0x4b: {  	p0 =	seq.s32 s22, $0x9;
	s25 =	sshll.u32 s25, $0xB;
	[tilespmem:s24+$0x1860] =	vst v1  }
0x4c: {  	s31 =	sadd.s32 s5, s25;
	[tilespmem:s24+$0x1870] =	vst v0;
	s24 =	simm.s32 @!p0 $0x3  }
0x4d: {  	[hbm4b:s31+s4] =	stream.linear.scatter [tilespmem:s13], [sflag:$0x3], $0x4000, $0x38;
	[tilespmem:$0x11800] =	vst v63  }
0x4e: {  	_ =	swait.ge @!p0 [sflag:s24], $0x4000  }
0x4f: {  	[sflag:s24] =	ssyncset.done @!p0 $0x0  }
0x50: {  	[sflag:s24] =	ssyncadd.s32 @!p0 $0xFFFFC000;
	s24 =	sshll.u32 @!p0 s22, $0x8  }
0x51: {  	s26 =	simm.s32 @!p0 $0x80;
	s28 =	simm.s32 @!p0 $0x1800;
	s25 =	sadd.s32 @!p0 $0x100, s24  }
0x52: {  	[tilespmem:s28], [sflag:$0x1] =	stream.indirect.gather @!p0 [hbm4b:s1+s26], $0x80, s25, s26, $0xb8;
	[tilespmem:$0x11800] =	vst v63  }
0x53: {  	s24 =	sadd.s32 @!p0 $0xD00, s24;
	s25 =	simm.s32 @!p0 $0x5800  }
0x54: {  	[tilespmem:s25], [sflag:$0x1] =	stream.indirect.gather @!p0 [hbm4b:s3+s26], $0x80, s24, s26, $0xb8;
	[tilespmem:$0x11800] =	vst v63  }
0x55: {  	_ =	swait.ge [sflag:s18], $0x4000  }
0x56: {  	[sflag:s18] =	ssyncset.done $0x0  }
0x57: {  	[sflag:s18] =	ssyncadd.s32 $0xFFFFC000  }
0x58: {  	_ =	swait.ge [sflag:s18], $0x4000  }
0x59: {  	[sflag:s18] =	ssyncset.done $0x0  }
0x5a: {  	s24 =	simm.s32 $0x0;
	[sflag:s18] =	ssyncadd.s32 $0xFFFFC000  }
0x5b: {  	v7 =	vld [tilespmem:s24+$0xD800]  }
0x5c: {  	v11 =	vld [tilespmem:s24+$0xD810]  }
0x5d: {  	v5 =	vld [tilespmem:s24+$0xD820]  }
0x5e: {  	v4 =	vld [tilespmem:s24+$0xD830]  }
0x5f: {  	v3 =	vld [tilespmem:s24+$0xD840]  }
0x60: {  	v2 =	vld [tilespmem:s24+$0xD850]  }
0x61: {  	v1 =	vld [tilespmem:s24+$0xD860]  }
0x62: {  	v0 =	vld [tilespmem:s24+$0xD870]  }
0x63: {  	v12 =	vld [tilespmem:s24+$0x9800]  }
0x64: {  	v13 =	vld [tilespmem:s24+$0x9810]  }
0x65: {  	v10 =	vld [tilespmem:s24+$0x9820]  }
0x66: {  	v9 =	vld [tilespmem:s24+$0x9830]  }
0x67: {  	v8 =	vld [tilespmem:s24+$0x9840]  }
0x68: {  	v6 =	vld [tilespmem:s24+$0x9850];
	v12 =	vadd.f32 v7, v12  }
0x69: {  	s25 =	simm.s32 $0x200;
	v11 =	vadd.f32 v11, v13;
	v7 =	vld [tilespmem:s24+$0x9860]  }
.LBB2_5:
0x6a: {  	s26 =	sshra.s32 s25, $0x2;
	p0 =	sne.s32 s25, $0xFE00;
	[tilespmem:s24+$0x9800] =	vst v12;
	v5 =	vadd.f32 v5, v10;
	v10 =	vld [tilespmem:s24+$0x9870]  }
0x6b: {  	v12 =	vld [tilespmem:s26+$0xD800];
	[tilespmem:s24+$0x9810] =	vst v11;
	v4 =	vadd.f32 v4, v9  }
0x6c: {  	v11 =	vld [tilespmem:s26+$0xD810];
	[tilespmem:s24+$0x9820] =	vst v5;
	v3 =	vadd.f32 v3, v8  }
0x6d: {  	v5 =	vld [tilespmem:s26+$0xD820];
	[tilespmem:s24+$0x9830] =	vst v4;
	v2 =	vadd.f32 v2, v6  }
0x6e: {  	v4 =	vld [tilespmem:s26+$0xD830];
	[tilespmem:s24+$0x9840] =	vst v3;
	v1 =	vadd.f32 v1, v7  }
0x6f: {  	v3 =	vld [tilespmem:s26+$0xD840];
	[tilespmem:s24+$0x9850] =	vst v2;
	v0 =	vadd.f32 v0, v10  }
0x70: {  	v2 =	vld [tilespmem:s26+$0xD850];
	[tilespmem:s24+$0x9860] =	vst v1  }
0x71: {  	v1 =	vld [tilespmem:s26+$0xD860];
	[tilespmem:s24+$0x9870] =	vst v0;
	s24 =	smov.u32 s26  }
0x72: {  	v0 =	vld [tilespmem:s24+$0xD870]  }
0x73: {  	v6 =	vld [tilespmem:s24+$0x9800]  }
0x74: {  	v7 =	vld [tilespmem:s24+$0x9810]  }
.Ltmp1:
0x75: {  	v10 =	vld [tilespmem:s24+$0x9820];
	(pc) =	sbr.rel @p0 .LBB2_5-.Ltmp1, $4  }
0x76: {  	v9 =	vld [tilespmem:s24+$0x9830]  }
0x77: {  	v8 =	vld [tilespmem:s24+$0x9840]  }
0x78: {  	v12 =	vadd.f32 v12, v6;
	v6 =	vld [tilespmem:s24+$0x9850]  }
0x79: {  	s25 =	sadd.s32 $0x200, s25;
	v11 =	vadd.f32 v11, v7;
	v7 =	vld [tilespmem:s24+$0x9860]  }
0x7a: {  	[tilespmem:s24+$0x9800] =	vst v12;
	v5 =	vadd.f32 v5, v10;
	v63 =	vld [tilespmem:s24+$0x9870]  }
0x7b: {  	[tilespmem:s24+$0x9810] =	vst v11;
	v4 =	vadd.f32 v4, v9  }
0x7c: {  	s22 =	sadd.s32 $0x1, s22;
	[tilespmem:s24+$0x9820] =	vst v5;
	v3 =	vadd.f32 v3, v8  }
0x7d: {  	p0 =	sne.s32 s22, $0xA;
	[tilespmem:s24+$0x9830] =	vst v4;
	v2 =	vadd.f32 v2, v6  }
.Ltmp2:
0x7e: {  	s23 =	sadd.s32 s6, s23;
	[tilespmem:s24+$0x9840] =	vst v3;
	v1 =	vadd.f32 v1, v7;
	(pc) =	sbr.rel @p0 .LBB2_2-.Ltmp2, $4  }
0x7f: {  	s23 =	sshll.u32 s23, $0xB;
	[tilespmem:s24+$0x9850] =	vst v2;
	v0 =	vadd.f32 v0, v63  }
0x80: {  	s23 =	sand.u32 $0x1FFFF800, s23;
	[tilespmem:s24+$0x9860] =	vst v1  }
0x81: {  	s23 =	sadd.s32 s5, s23;
	[tilespmem:s24+$0x9870] =	vst v0  }
0x82: {  	[hbm4b:s23+s4] =	stream.linear.scatter [tilespmem:s15], [sflag:$0x4], $0x4000, $0x38;
	[tilespmem:$0x11800] =	vst v63  }
0x83: {  	s21 =	sadd.s32 $0x1, s21  }
0x84: {  	_ =	swait.ge [sflag:s19], $0x4000;
	p0 =	sne.s32 s21, s9  }
.Ltmp3:
0x85: {  	[sflag:s19] =	ssyncset.done $0x0;
	(pc) =	sbr.rel @p0 .LBB2_1-.Ltmp3, $4  }
0x86: {  	[sflag:s19] =	ssyncadd.s32 $0xFFFFC000  }
0x87: {  	_ =	swait.ge [sflag:s20], $0x4000  }
0x88: {  	[sflag:s20] =	ssyncset.done $0x0  }
0x89: {  	[sflag:s20] =	ssyncadd.s32 $0xFFFFC000  }
0x8a: {  	_ =	sfence.sel $0x180000  }
0x8b: {  	[bflag:$0x0] =	sbarrier.arrive $0xFFFF  }
0x8c: {  	p0 =	sne.s32 s0, $0x0;
	_ =	strace $0x90000047  }
0x8d: {  	s0 =	sadd.s32 @!p0 $0x100000, s2;
	[bflag:$0x2] =	sbarrier.arrive $0xFFFF  }
0x8e: {  	[sflag:s0] =	ssyncadd.tile.s32 @!p0 $0x1;
	_ =	shalt  }
.Lfunc_end2:
_tile_overlayer_lowered:
.L_overlay_start_2:
0x8f: {  	(tag) =	ssettag $0x2  }
0x90: {  	s0 =	rddreg [dreg:$0x0];
	s2 =	stileid.u32  }
0x91: {  	s1 =	rddreg [dreg:$0x1];
	p0 =	sne.s32 s2, $0x0  }
0x92: {  	s3 =	rddreg [dreg:$0x2];
	[bflag:$0x3] =	sbarrier.arrive $0xFFFF;
	s2 =	simm.s32 @!p0 $0x1C05  }
0x93: {  	[timem:s3], [sflag:s2] =	dma.local @!p0 [hbm:s0], s1  }
0x94: {  	s0 =	simm.s32 @!p0 $0x5  }
0x95: {  	_ =	swait.ge @!p0 [sflag:s0], s1  }
0x96: {  	s1 =	ssub.s32 @!p0 $0x0, s1;
	[sflag:s0] =	ssyncset.done @!p0 $0x0  }
0x97: {  	[sflag:s0] =	ssyncadd.s32 @!p0 s1  }
0x98: {  	[bflag:$0x3] =	sbarrier.arrive $0xFFFF  }
0x99: {  	_ =	shalt  }

// kernel: kernel.7.cloned.1.call-start
scs
__scs_entry_jumppad:
0x0: {  	(pc) =	sbr.rel $0x88, $3  }
0x1: {  	(tag) =	ssettag $0x0;
	lr =	simm.s32 $0x1  }
0x2: {  	[smem:$0x3F96] =	sst lr;
	_ =	strace $0xD0000000  }
0x3: {  	_ = 	snop  }
0x4: {  	_ = 	snop  }
0x5: {  	_ = 	snop  }
0x6: {  	_ = 	snop  }
0x7: {  	_ = 	snop  }
__scs_overlays_trampoline_lowered:
0x8: {  	[smem:$0x3FA5] =	sst s0  }
0x9: {  	[smem:$0x3FA6] =	sst s1  }
0xa: {  	[smem:$0x3FA7] =	sst s2  }
0xb: {  	[smem:$0x3FA8] =	sst s3  }
0xc: {  	[smem:$0x3FA9] =	sst s4  }
0xd: {  	[smem:$0x3FAA] =	sst s5  }
0xe: {  	[smem:$0x3FAB] =	sst s6  }
0xf: {  	[smem:$0x3FAC] =	sst s7  }
0x10: {  	[smem:$0x3FAD] =	sst s8  }
0x11: {  	[smem:$0x3FAE] =	sst s9;
	s0 =	simm.s32 @!p0 $0x0  }
0x12: {  	s1 =	sld [smem:$0x3F94];
	s0 =	simm.s32 @p0 $0x1  }
0x13: {  	[smem:$0x3FAF] =	sst s0;
	s0 =	simm.s32 @!p1 $0x0  }
0x14: {  	s2 =	sld [smem:$0x3F93];
	s0 =	simm.s32 @p1 $0x1  }
0x15: {  	[smem:$0x3FB0] =	sst s0;
	s0 =	simm.s32 @!p2 $0x0  }
0x16: {  	s3 =	sld [smem:$0x3FDB];
	s0 =	simm.s32 @p2 $0x1  }
0x17: {  	s4 =	simm.s32 $0x1BF5;
	[smem:$0x3FB2] =	sst s0  }
0x18: {  	s0 =	sld [smem:$0x3F95];
	_ =	swait.ge [sflag:s4], $0x0  }
0x19: {  	s7 =	sld [smem:$0x3F96]  }
0x1a: {  	s8 =	sadd.s32 $0xFFFFE003, lr  }
0x1b: {  	s9 =	sadd.s32 $0xFFFFFEF7, lr;
	s5 =	simm.s32 $0xFFFFFFFF;
	p2 =	slt.u32 s8, $0xFFFFF086  }
0x1c: {  	p1 =	slt.u32 s9, $0xF7A;
	s5 =	simm.s32 @!p2 $0x0  }
0x1d: {  	s5 =	simm.s32 @p1 $0x1;
	p0 =	seq.s32 s7, s2  }
0x1e: {  	s7 =	smul.u32 @!p0 $0xF7A, s2;
	p2 =	seq.s32 @!p0 s5, $0x0  }
0x1f: {  	s9 =	smul.u32 $0xF7A, s1;
	s8 =	simm.s32 @!p0 $0x1BF5;
	p2 =	por !p2, p0  }
0x20: {  	[sflag:s8] =	ssyncset.s32 @!p0 $0xFFFFF086;
	s6 =	sadd.s32 @!p0 s3, s7;
	s7 =	simm.s32 @!p0 $0x108  }
0x21: {  	s3 =	sadd.s32 s3, s9;
	s6 =	sadd.s32 @!p0 $0x88, s6;
	s7 =	simm.s32 @p2 $0x1082  }
0x22: {  	[simem:s7], [sflag:s8] =	dma.local @!p0 [hbm:s6], $0xF7A  }
0x23: {  	s9 =	sor.u32 $0xD0000000, s2;
	s6 =	simm.s32 $0x108;
	_ =	swait.ge @!p0 [sflag:s8], $0x0  }
0x24: {  	s3 =	sadd.s32 $0x88, s3;
	s6 =	simm.s32 @!p1 $0x1082;
	[sflag:s4] =	ssyncset.s32 $0xFFFFF086  }
0x25: {  	[simem:s6], [sflag:s4] =	dma.local [hbm:s3], $0xF7A  }
0x26: {  	[smem:$0x3F96] =	sst s1;
	(tag) =	ssettag s2;
	_ =	strace s9  }
0x27: {  	s1 =	sld [smem:$0x3FA6]  }
0x28: {  	s2 =	sld [smem:$0x3FA7]  }
0x29: {  	s4 =	sld [smem:$0x3FA9]  }
0x2a: {  	p0 =	seq.s32 s5, $0x0;
	s5 =	sld [smem:$0x3FAA]  }
0x2b: {  	s6 =	sld [smem:$0x3FAB]  }
0x2c: {  	s7 =	sld [smem:$0x3FAC]  }
0x2d: {  	s3 =	simm.s32 $0x108;
	s8 =	sld [smem:$0x3FAD]  }
0x2e: {  	s3 =	simm.s32 @!p0 $0x1082;
	s9 =	sld [smem:$0x3FAE]  }
0x2f: {  	lr =	sadd.s32 s0, s3;
	s0 =	sld [smem:$0x3FA5]  }
0x30: {  	s3 =	sld [smem:$0x3FA8]  }
0x31: {  	[smem:$0x3FB1] =	sst s10  }
0x32: {  	s10 =	sld [smem:$0x3FAF];
	_ =	sdelay $0x3  }
0x33: {  	p0 =	seq.s32 s10, $0x1;
	s10 =	sld [smem:$0x3FB1];
	_ =	sdelay $0x3  }
0x34: {  	[smem:$0x3FB1] =	sst s10  }
0x35: {  	s10 =	sld [smem:$0x3FB0];
	_ =	sdelay $0x3  }
0x36: {  	p1 =	seq.s32 s10, $0x1;
	s10 =	sld [smem:$0x3FB1];
	_ =	sdelay $0x3  }
0x37: {  	[smem:$0x3FB1] =	sst s10  }
0x38: {  	s10 =	sld [smem:$0x3FB2]  }
0x39: {  	_ = 	snop;
	(pc) =	sbr.ind lr, $3  }
0x3a: {  	_ = 	snop  }
0x3b: {  	_ = 	snop  }
0x3c: {  	p2 =	seq.s32 s10, $0x1;
	s10 =	sld [smem:$0x3FB1]  }
0x3d: {  	_ =	shalt  }
0x3e: {  	_ =	shalt  }
0x3f: {  	_ =	shalt  }
0x40: {  	_ =	shalt  }
0x41: {  	_ =	shalt  }
0x42: {  	_ =	shalt  }
0x43: {  	_ =	shalt  }
0x44: {  	_ =	shalt  }
0x45: {  	_ =	shalt  }
0x46: {  	_ =	shalt  }
0x47: {  	_ =	shalt  }
0x48: {  	_ =	shalt  }
0x49: {  	_ =	shalt  }
0x4a: {  	_ =	shalt  }
0x4b: {  	_ =	shalt  }
0x4c: {  	_ =	shalt  }
0x4d: {  	_ =	shalt  }
0x4e: {  	_ =	shalt  }
0x4f: {  	_ =	shalt  }
0x50: {  	_ =	shalt  }
0x51: {  	_ =	shalt  }
0x52: {  	_ =	shalt  }
0x53: {  	_ =	shalt  }
0x54: {  	_ =	shalt  }
0x55: {  	_ =	shalt  }
0x56: {  	_ =	shalt  }
0x57: {  	_ =	shalt  }
0x58: {  	_ =	shalt  }
0x59: {  	_ =	shalt  }
0x5a: {  	_ =	shalt  }
0x5b: {  	_ =	shalt  }
0x5c: {  	_ =	shalt  }
0x5d: {  	_ =	shalt  }
0x5e: {  	_ =	shalt  }
0x5f: {  	_ =	shalt  }
0x60: {  	_ =	shalt  }
0x61: {  	_ =	shalt  }
0x62: {  	_ =	shalt  }
0x63: {  	_ =	shalt  }
0x64: {  	_ =	shalt  }
0x65: {  	_ =	shalt  }
0x66: {  	_ =	shalt  }
0x67: {  	_ =	shalt  }
0x68: {  	_ =	shalt  }
0x69: {  	_ =	shalt  }
0x6a: {  	_ =	shalt  }
0x6b: {  	_ =	shalt  }
0x6c: {  	_ =	shalt  }
0x6d: {  	_ =	shalt  }
0x6e: {  	_ =	shalt  }
0x6f: {  	_ =	shalt  }
0x70: {  	_ =	shalt  }
0x71: {  	_ =	shalt  }
0x72: {  	_ =	shalt  }
0x73: {  	_ =	shalt  }
0x74: {  	_ =	shalt  }
0x75: {  	_ =	shalt  }
0x76: {  	_ =	shalt  }
0x77: {  	_ =	shalt  }
0x78: {  	_ =	shalt  }
0x79: {  	_ =	shalt  }
0x7a: {  	_ =	shalt  }
0x7b: {  	_ =	shalt  }
0x7c: {  	_ =	shalt  }
0x7d: {  	_ =	shalt  }
0x7e: {  	_ =	shalt  }
0x7f: {  	_ =	shalt  }
0x80: {  	_ =	shalt  }
0x81: {  	_ =	shalt  }
0x82: {  	_ =	shalt  }
0x83: {  	_ =	shalt  }
0x84: {  	_ =	shalt  }
0x85: {  	_ =	shalt  }
0x86: {  	_ =	shalt  }
0x87: {  	_ =	shalt  }
.Lfunc_end0:
.L_simem_size_0:
called_computation_lowered:
.L_overlay_start_0:
0x88: {  	s2 =	sld [smem:$0x3FD9]  }
0x89: {  	s3 =	sld [smem:$0x3FFE];
	_ =	sdelay $0x1  }
0x8a: {  	s1 =	srdreg.scid  }
0x8b: {  	s0 =	sand.u32 $0x1, s1  }
0x8c: {  	s15 =	sshll.u32 s0, $0xA;
	s2 =	sadd.s32 s3, s2  }
0x8d: {  	s2 =	sadd.s32 s2, s15  }
0x8e: {  	[smem:$0x3FBD] =	sst s2  }
0x8f: {  	_ = 	snop  }
0x90: {  	s2 =	sld [smem:$0x3FD0];
	_ =	sdelay $0x2  }
0x91: {  	s4 =	simm.s32 $0xB;
	s16 =	simm.s32 $0x10  }
0x92: {  	[smem:s16], [sflag:s4] =	dma.local [hbm:s2], $0x1  }
0x93: {  	_ =	swait.eq [sflag:s4], $0x1  }
0x94: {  	[sflag:s4] =	ssyncset.done $0x0  }
0x95: {  	s17 =	sld [smem:$0x10];
	[sflag:s4] =	ssyncadd.s32 $0xFFFFFFFF  }
0x96: {  	s18 =	sld [smem:$0x12];
	(tm) =	ssettm $0x1  }
0x97: {  	s19 =	sld [smem:$0x3FFB];
	_ =	sdelay $0x3  }
0x98: {  	_ =	strace s19  }
0x99: {  	s2 =	sld [smem:$0x3FFC];
	_ =	sdelay $0x3  }
0x9a: {  	_ =	strace s2  }
0x9b: {  	s2 =	sld [smem:$0x3FFD];
	_ =	sdelay $0x3  }
0x9c: {  	_ =	strace s2  }
0x9d: {  	_ =	strace $0x8FFFFFFF  }
0x9e: {  	s20 =	sld [smem:$0x3FDB];
	_ =	sdelay $0x1  }
0x9f: {  	s5 =	simm.s32 $_scs_section_size  }
0xa0: {  	s6 =	simm.s32 $_size__tile_overlayer_lowered;
	s7 =	simm.s32 $_tile_overlayer_lowered  }
0xa1: {  	s8 =	simm.s32 $0x1BFF;
	s21 =	sshll.u32 s7, $0x1;
	s5 =	sadd.s32 s5, s20  }
0xa2: {  	s22 =	simm.s32 $0x0;
	s6 =	sshll.u32 s6, $0x1;
	s7 =	sadd.s32 s21, s5  }
0xa3: {  	[timem:s22], [sflag:s8] =	dma.local [hbm:s7], s6  }
0xa4: {  	_ =	swait.ge [sflag:s8], s6  }
0xa5: {  	s6 =	ssub.s32 $0x0, s6;
	[sflag:s8] =	ssyncset.done $0x0  }
0xa6: {  	[sflag:s8] =	ssyncadd.s32 s6;
	_ =	sdelay $0x1  }
0xa7: {  	s23 =	simm.s32 $0x1B8B  }
0xa8: {  	_ =	swait.ge [sflag:s23], $0x1  }
0xa9: {  	[sflag:s23] =	ssyncset.done $0x0  }
0xaa: {  	[sflag:s23] =	ssyncadd.s32 $0xFFFFFFFF  }
0xab: {  	s6 =	sld [smem:$0x0]  }
0xac: {  	s7 =	sand.u32 $0xFFFFFFFE, s1  }
0xad: {  	p0 =	sne.s32 s1, s7  }
0xae: {  	s7 =	sshll.u32 @p0 s7, $0xE  }
0xaf: {  	s7 =	sadd.s32 @p0 $0x11B8D, s7;
	s8 =	sshll.u32 @p0 s6, $0x11  }
0xb0: {  	s7 =	sor.u32 @p0 s8, s7  }
0xb1: {  	[sflag:s7] =	ssyncadd.remote.s32 @p0 $0x1;
	_ =	sdelay $0x1  }
0xb2: {  	s7 =	simm.s32 @p0 $0x1B8D  }
0xb3: {  	_ =	swait.eq @p0 [sflag:s7], $0x1  }
0xb4: {  	[sflag:s7] =	ssyncadd.s32 @p0 $0xFFFFFFFF  }
0xb5: {  	s8 =	sshll.u32 @!p0 s1, $0xE  }
0xb6: {  	s8 =	sor.u32 @!p0 $0x4000, s8;
	s7 =	simm.s32 @!p0 $0x1B8D  }
0xb7: {  	s6 =	sshll.u32 @!p0 s6, $0x11;
	s8 =	sadd.s32 @!p0 $0x11B8D, s8;
	_ =	swait.eq @!p0 [sflag:s7], $0x1  }
0xb8: {  	s6 =	sor.u32 @!p0 s6, s8;
	[sflag:s7] =	ssyncadd.s32 @!p0 $0xFFFFFFFF  }
0xb9: {  	s25 =	simm.s32 $0x1B8E;
	s24 =	sld [smem:$0x3FFE];
	[sflag:s6] =	ssyncadd.remote.s32 @!p0 $0x1  }
0xba: {  	s26 =	simm.s32 $execute0_lowered;
	[smem:$0x3FD2] =	sst s25  }
0xbb: {  	s7 =	sshll.u32 s26, $0x1;
	_ =	strace $0x80000049;
	[dreg:$0x1] =	wrdreg $0xFFFFFFFF  }
0xbc: {  	s28 =	simm.s32 $_size_execute0_lowered;
	s5 =	sadd.s32 s5, s7;
	[dreg:$0x0] =	wrdreg $0x0  }
0xbd: {  	s7 =	sshll.u32 s28, $0x1;
	[dreg:$0x2] =	wrdreg s5  }
0xbe: {  	[dreg:$0x3] =	wrdreg s7  }
0xbf: {  	[dreg:$0x4] =	wrdreg $0xC0  }
0xc0: {  	_ =	task [dreg:s22], $0x5FFFF  }
0xc1: {  	[dreg:$0x1] =	wrdreg $0xFFFFFFFF  }
0xc2: {  	[dreg:$0x0] =	wrdreg $0x60  }
0xc3: {  	[dreg:$0x2] =	wrdreg s17  }
0xc4: {  	[dreg:$0x3] =	wrdreg s18  }
0xc5: {  	[dreg:$0x4] =	wrdreg s24  }
0xc6: {  	[dreg:$0x5] =	wrdreg $0x9  }
0xc7: {  	_ =	task.clear_ibuf [dreg:s22], $0x6FFFF;
	_ =	strace $0x90000049  }
0xc8: {  	s29 =	simm.s32 $0x9;
	_ =	strace $0x8000004B  }
0xc9: {  	_ =	swait.ge [sflag:s29], $0x1  }
0xca: {  	[sflag:s29] =	ssyncadd.s32 $0xFFFFFFFF  }
0xcb: {  	_ =	strace $0x9000004B  }
0xcc: {  	_ =	sfence  }
0xcd: {  	s30 =	sld [smem:$0x0];
	_ =	sdelay $0x2  }
0xce: {  	s31 =	sshll.u32 s1, $0xD;
	s1 =	sshrl.u32 s1, $0x2  }
0xcf: {  	s4 =	sand.u32 $0x4000, s31;
	s1 =	sadd.s32 s1, s30  }
0xd0: {  	s0 =	sor.u32 s4, s0;
	s1 =	sshll.u32 s1, $0x11  }
0xd1: {  	s0 =	sor.u32 s1, s0  }
0xd2: {  	s0 =	sadd.s32 $0x8F2B, s0  }
0xd3: {  	[sflag:s0] =	ssyncadd.remote.s32 $0x1  }
0xd4: {  	_ =	sfence.sel $0xFFFF  }
0xd5: {  	[dreg:$0x0] =	wrdreg $0xFFFFFFFF;
	(pc) =	sbr.abs _section_cstart, $3  }
0xd6: {  	[dreg:$0x1] =	wrdreg $0xFFFFFFFF  }
0xd7: {  	_ =	task.clear_ibuf [dreg:s22], $0x2FFFF;
	_ =	strace $0x9FFFFFFF  }
0xd8: {  	(tm) =	ssettm $0x7FFFFFFF  }
0xd9: {  	_ =	shalt  }
tec
execute0_lowered:
.L_overlay_start_1:
0x0: {  	(tag) =	ssettag $0x1  }
0x1: {  	s1 =	rddreg [dreg:$0x0];
	s2 =	srdreg.scid  }
0x2: {  	s0 =	stileid.u32;
	s3 =	rddreg [dreg:$0x1]  }
0x3: {  	s6 =	rddreg [dreg:$0x2];
	s4 =	simm.s32 $0x0;
	s11 =	simm.s32 $0xC00  }
0x4: {  	s12 =	simm.s32 $0x80;
	s13 =	simm.s32 $0x1800;
	s14 =	simm.s32 $0x5800  }
0x5: {  	s15 =	simm.s32 $0x9800;
	s16 =	simm.s32 $0xD800;
	s17 =	simm.s32 $0x1  }
0x6: {  	s18 =	simm.s32 $0x2;
	s19 =	simm.s32 $0x3;
	s20 =	simm.s32 $0x4  }
0x7: {  	s21 =	simm.s32 $0x0;
	s5 =	sand.u32 $0x1, s2;
	s31 =	sshll.u32 s0, $0x1  }
0x8: {  	s2 =	rddreg [dreg:$0x3];
	s7 =	sor.u32 s5, s31;
	s9 =	ssub.s32 $0x2, s5  }
0x9: {  	[smem:$0x7FF] =	sst s4;
	s8 =	smul.u32 $0x180, s7;
	s10 =	sshrl.u32 s9, $0x1  }
0xa: {  	_ =	strace $0x8000004A;
	s5 =	sadd.s32 $0x14D600, s6;
	s9 =	ssub.s32 s9, s10  }
0xb: {  	s10 =	simm.s32 $0x5;
	s8 =	sadd.s32 s8, s6;
	s6 =	smul.u32 $0x14, s7  }
0xc: {  	s9 =	smax.u32 s9, $0x1;
	s7 =	sadd.s32 $0x147600, s8;
	s8 =	sadd.s32 $0x14A600, s8  }
.LBB2_1:
0xd: {  	[tilespmem:s4], [sflag:$0x5] =	stream.linear.gather [hbm4b:s7+s4], $0xA00, $0x38;
	[tilespmem:$0x11800] =	vst v63  }
0xe: {  	_ =	swait.ge [sflag:s10], $0xA00  }
0xf: {  	[sflag:s10] =	ssyncset.done $0x0  }
0x10: {  	[sflag:s10] =	ssyncadd.s32 $0xFFFFF600  }
0x11: {  	[tilespmem:s11], [sflag:$0x5] =	stream.linear.gather [hbm4b:s8+s4], $0xA00, $0x38;
	[tilespmem:$0x11800] =	vst v63  }
0x12: {  	_ =	swait.ge [sflag:s10], $0xA00  }
0x13: {  	[sflag:s10] =	ssyncset.done $0x0  }
0x14: {  	[sflag:s10] =	ssyncadd.s32 $0xFFFFF600  }
0x15: {  	[tilespmem:s13], [sflag:$0x1] =	stream.indirect.gather [hbm4b:s1+s12], $0x80, s4, s12, $0xb8;
	[tilespmem:$0x11800] =	vst v63  }
0x16: {  	s22 =	simm.s32 $0x0  }
0x17: {  	[tilespmem:s14], [sflag:$0x1] =	stream.indirect.gather [hbm4b:s3+s12], $0x80, s11, s12, $0xb8;
	[tilespmem:$0x11800] =	vst v63  }
.LBB2_2:
0x18: {  	p0 =	seq.s32 s22, $0x0  }
0x19: {  	s24 =	simm.s32 @!p0 $0x4  }
0x1a: {  	_ =	swait.ge @!p0 [sflag:s24], $0x4000  }
0x1b: {  	s23 =	sshllo.u32 s22, $0x1;
	[sflag:s24] =	ssyncset.done @!p0 $0x0  }
0x1c: {  	s31 =	sshll.u32 s23, $0x7;
	[sflag:s24] =	ssyncadd.s32 @!p0 $0xFFFFC000  }
0x1d: {  	[tilespmem:s15], [sflag:$0x2] =	stream.indirect.gather [hbm4b:s1+s12], $0x80, s31, s12, $0xb8;
	[tilespmem:$0x11800] =	vst v63  }
0x1e: {  	s24 =	sadd.s32 $0xC00, s31  }
0x1f: {  	[tilespmem:s16], [sflag:$0x2] =	stream.indirect.gather [hbm4b:s3+s12], $0x80, s24, s12, $0xb8;
	[tilespmem:$0x11800] =	vst v63  }
0x20: {  	_ =	swait.ge [sflag:s17], $0x4000  }
0x21: {  	[sflag:s17] =	ssyncset.done $0x0  }
0x22: {  	[sflag:s17] =	ssyncadd.s32 $0xFFFFC000  }
0x23: {  	_ =	swait.ge [sflag:s17], $0x4000  }
0x24: {  	[sflag:s17] =	ssyncset.done $0x0  }
0x25: {  	s24 =	simm.s32 $0x0;
	[sflag:s17] =	ssyncadd.s32 $0xFFFFC000  }
0x26: {  	v7 =	vld [tilespmem:s24+$0x5800]  }
0x27: {  	v11 =	vld [tilespmem:s24+$0x5810]  }
0x28: {  	v5 =	vld [tilespmem:s24+$0x5820]  }
0x29: {  	v4 =	vld [tilespmem:s24+$0x5830]  }
0x2a: {  	v3 =	vld [tilespmem:s24+$0x5840]  }
0x2b: {  	v2 =	vld [tilespmem:s24+$0x5850]  }
0x2c: {  	v1 =	vld [tilespmem:s24+$0x5860]  }
0x2d: {  	v0 =	vld [tilespmem:s24+$0x5870]  }
0x2e: {  	v12 =	vld [tilespmem:s24+$0x1800]  }
0x2f: {  	v13 =	vld [tilespmem:s24+$0x1810]  }
0x30: {  	v10 =	vld [tilespmem:s24+$0x1820]  }
0x31: {  	v9 =	vld [tilespmem:s24+$0x1830]  }
0x32: {  	v8 =	vld [tilespmem:s24+$0x1840]  }
0x33: {  	v6 =	vld [tilespmem:s24+$0x1850];
	v12 =	vadd.f32 v7, v12  }
0x34: {  	s25 =	sshll.u32 s22, $0x1;
	s26 =	simm.s32 $0x200;
	v11 =	vadd.f32 v11, v13;
	v7 =	vld [tilespmem:s24+$0x1860]  }
.LBB2_3:
0x35: {  	s28 =	sshra.s32 s26, $0x2;
	p0 =	sne.s32 s26, $0xFE00;
	[tilespmem:s24+$0x1800] =	vst v12;
	v5 =	vadd.f32 v5, v10;
	v10 =	vld [tilespmem:s24+$0x1870]  }
0x36: {  	v12 =	vld [tilespmem:s28+$0x5800];
	[tilespmem:s24+$0x1810] =	vst v11;
	v4 =	vadd.f32 v4, v9  }
0x37: {  	v11 =	vld [tilespmem:s28+$0x5810];
	[tilespmem:s24+$0x1820] =	vst v5;
	v3 =	vadd.f32 v3, v8  }
0x38: {  	v5 =	vld [tilespmem:s28+$0x5820];
	[tilespmem:s24+$0x1830] =	vst v4;
	v2 =	vadd.f32 v2, v6  }
0x39: {  	v4 =	vld [tilespmem:s28+$0x5830];
	[tilespmem:s24+$0x1840] =	vst v3;
	v1 =	vadd.f32 v1, v7  }
0x3a: {  	v3 =	vld [tilespmem:s28+$0x5840];
	[tilespmem:s24+$0x1850] =	vst v2;
	v0 =	vadd.f32 v0, v10  }
0x3b: {  	v2 =	vld [tilespmem:s28+$0x5850];
	[tilespmem:s24+$0x1860] =	vst v1  }
0x3c: {  	v1 =	vld [tilespmem:s28+$0x5860];
	[tilespmem:s24+$0x1870] =	vst v0;
	s24 =	smov.u32 s28  }
0x3d: {  	v0 =	vld [tilespmem:s24+$0x5870]  }
0x3e: {  	v6 =	vld [tilespmem:s24+$0x1800]  }
0x3f: {  	v7 =	vld [tilespmem:s24+$0x1810]  }
.Ltmp0:
0x40: {  	v10 =	vld [tilespmem:s24+$0x1820];
	(pc) =	sbr.rel @p0 .LBB2_3-.Ltmp0, $4  }
0x41: {  	v9 =	vld [tilespmem:s24+$0x1830]  }
0x42: {  	v8 =	vld [tilespmem:s24+$0x1840]  }
0x43: {  	v12 =	vadd.f32 v12, v6;
	v6 =	vld [tilespmem:s24+$0x1850]  }
0x44: {  	s26 =	sadd.s32 $0x200, s26;
	v11 =	vadd.f32 v11, v7;
	v7 =	vld [tilespmem:s24+$0x1860]  }
0x45: {  	[tilespmem:s24+$0x1800] =	vst v12;
	v5 =	vadd.f32 v5, v10;
	v10 =	vld [tilespmem:s24+$0x1870]  }
0x46: {  	[tilespmem:s24+$0x1810] =	vst v11;
	v4 =	vadd.f32 v4, v9  }
0x47: {  	[tilespmem:s24+$0x1820] =	vst v5;
	v3 =	vadd.f32 v3, v8  }
0x48: {  	[tilespmem:s24+$0x1830] =	vst v4;
	v2 =	vadd.f32 v2, v6  }
0x49: {  	[tilespmem:s24+$0x1840] =	vst v3;
	v1 =	vadd.f32 v1, v7  }
0x4a: {  	s25 =	sadd.s32 s6, s25;
	[tilespmem:s24+$0x1850] =	vst v2;
	v0 =	vadd.f32 v0, v10  }
0x4b: {  	p0 =	seq.s32 s22, $0x9;
	s25 =	sshll.u32 s25, $0xB;
	[tilespmem:s24+$0x1860] =	vst v1  }
0x4c: {  	s31 =	sadd.s32 s5, s25;
	[tilespmem:s24+$0x1870] =	vst v0;
	s24 =	simm.s32 @!p0 $0x3  }
0x4d: {  	[hbm4b:s31+s4] =	stream.linear.scatter [tilespmem:s13], [sflag:$0x3], $0x4000, $0x38;
	[tilespmem:$0x11800] =	vst v63  }
0x4e: {  	_ =	swait.ge @!p0 [sflag:s24], $0x4000  }
0x4f: {  	[sflag:s24] =	ssyncset.done @!p0 $0x0  }
0x50: {  	[sflag:s24] =	ssyncadd.s32 @!p0 $0xFFFFC000;
	s24 =	sshll.u32 @!p0 s22, $0x8  }
0x51: {  	s26 =	simm.s32 @!p0 $0x80;
	s28 =	simm.s32 @!p0 $0x1800;
	s25 =	sadd.s32 @!p0 $0x100, s24  }
0x52: {  	[tilespmem:s28], [sflag:$0x1] =	stream.indirect.gather @!p0 [hbm4b:s1+s26], $0x80, s25, s26, $0xb8;
	[tilespmem:$0x11800] =	vst v63  }
0x53: {  	s24 =	sadd.s32 @!p0 $0xD00, s24;
	s25 =	simm.s32 @!p0 $0x5800  }
0x54: {  	[tilespmem:s25], [sflag:$0x1] =	stream.indirect.gather @!p0 [hbm4b:s3+s26], $0x80, s24, s26, $0xb8;
	[tilespmem:$0x11800] =	vst v63  }
0x55: {  	_ =	swait.ge [sflag:s18], $0x4000  }
0x56: {  	[sflag:s18] =	ssyncset.done $0x0  }
0x57: {  	[sflag:s18] =	ssyncadd.s32 $0xFFFFC000  }
0x58: {  	_ =	swait.ge [sflag:s18], $0x4000  }
0x59: {  	[sflag:s18] =	ssyncset.done $0x0  }
0x5a: {  	s24 =	simm.s32 $0x0;
	[sflag:s18] =	ssyncadd.s32 $0xFFFFC000  }
0x5b: {  	v7 =	vld [tilespmem:s24+$0xD800]  }
0x5c: {  	v11 =	vld [tilespmem:s24+$0xD810]  }
0x5d: {  	v5 =	vld [tilespmem:s24+$0xD820]  }
0x5e: {  	v4 =	vld [tilespmem:s24+$0xD830]  }
0x5f: {  	v3 =	vld [tilespmem:s24+$0xD840]  }
0x60: {  	v2 =	vld [tilespmem:s24+$0xD850]  }
0x61: {  	v1 =	vld [tilespmem:s24+$0xD860]  }
0x62: {  	v0 =	vld [tilespmem:s24+$0xD870]  }
0x63: {  	v12 =	vld [tilespmem:s24+$0x9800]  }
0x64: {  	v13 =	vld [tilespmem:s24+$0x9810]  }
0x65: {  	v10 =	vld [tilespmem:s24+$0x9820]  }
0x66: {  	v9 =	vld [tilespmem:s24+$0x9830]  }
0x67: {  	v8 =	vld [tilespmem:s24+$0x9840]  }
0x68: {  	v6 =	vld [tilespmem:s24+$0x9850];
	v12 =	vadd.f32 v7, v12  }
0x69: {  	s25 =	simm.s32 $0x200;
	v11 =	vadd.f32 v11, v13;
	v7 =	vld [tilespmem:s24+$0x9860]  }
.LBB2_5:
0x6a: {  	s26 =	sshra.s32 s25, $0x2;
	p0 =	sne.s32 s25, $0xFE00;
	[tilespmem:s24+$0x9800] =	vst v12;
	v5 =	vadd.f32 v5, v10;
	v10 =	vld [tilespmem:s24+$0x9870]  }
0x6b: {  	v12 =	vld [tilespmem:s26+$0xD800];
	[tilespmem:s24+$0x9810] =	vst v11;
	v4 =	vadd.f32 v4, v9  }
0x6c: {  	v11 =	vld [tilespmem:s26+$0xD810];
	[tilespmem:s24+$0x9820] =	vst v5;
	v3 =	vadd.f32 v3, v8  }
0x6d: {  	v5 =	vld [tilespmem:s26+$0xD820];
	[tilespmem:s24+$0x9830] =	vst v4;
	v2 =	vadd.f32 v2, v6  }
0x6e: {  	v4 =	vld [tilespmem:s26+$0xD830];
	[tilespmem:s24+$0x9840] =	vst v3;
	v1 =	vadd.f32 v1, v7  }
0x6f: {  	v3 =	vld [tilespmem:s26+$0xD840];
	[tilespmem:s24+$0x9850] =	vst v2;
	v0 =	vadd.f32 v0, v10  }
0x70: {  	v2 =	vld [tilespmem:s26+$0xD850];
	[tilespmem:s24+$0x9860] =	vst v1  }
0x71: {  	v1 =	vld [tilespmem:s26+$0xD860];
	[tilespmem:s24+$0x9870] =	vst v0;
	s24 =	smov.u32 s26  }
0x72: {  	v0 =	vld [tilespmem:s24+$0xD870]  }
0x73: {  	v6 =	vld [tilespmem:s24+$0x9800]  }
0x74: {  	v7 =	vld [tilespmem:s24+$0x9810]  }
.Ltmp1:
0x75: {  	v10 =	vld [tilespmem:s24+$0x9820];
	(pc) =	sbr.rel @p0 .LBB2_5-.Ltmp1, $4  }
0x76: {  	v9 =	vld [tilespmem:s24+$0x9830]  }
0x77: {  	v8 =	vld [tilespmem:s24+$0x9840]  }
0x78: {  	v12 =	vadd.f32 v12, v6;
	v6 =	vld [tilespmem:s24+$0x9850]  }
0x79: {  	s25 =	sadd.s32 $0x200, s25;
	v11 =	vadd.f32 v11, v7;
	v7 =	vld [tilespmem:s24+$0x9860]  }
0x7a: {  	[tilespmem:s24+$0x9800] =	vst v12;
	v5 =	vadd.f32 v5, v10;
	v63 =	vld [tilespmem:s24+$0x9870]  }
0x7b: {  	[tilespmem:s24+$0x9810] =	vst v11;
	v4 =	vadd.f32 v4, v9  }
0x7c: {  	s22 =	sadd.s32 $0x1, s22;
	[tilespmem:s24+$0x9820] =	vst v5;
	v3 =	vadd.f32 v3, v8  }
0x7d: {  	p0 =	sne.s32 s22, $0xA;
	[tilespmem:s24+$0x9830] =	vst v4;
	v2 =	vadd.f32 v2, v6  }
.Ltmp2:
0x7e: {  	s23 =	sadd.s32 s6, s23;
	[tilespmem:s24+$0x9840] =	vst v3;
	v1 =	vadd.f32 v1, v7;
	(pc) =	sbr.rel @p0 .LBB2_2-.Ltmp2, $4  }
0x7f: {  	s23 =	sshll.u32 s23, $0xB;
	[tilespmem:s24+$0x9850] =	vst v2;
	v0 =	vadd.f32 v0, v63  }
0x80: {  	s23 =	sand.u32 $0x1FFFF800, s23;
	[tilespmem:s24+$0x9860] =	vst v1  }
0x81: {  	s23 =	sadd.s32 s5, s23;
	[tilespmem:s24+$0x9870] =	vst v0  }
0x82: {  	[hbm4b:s23+s4] =	stream.linear.scatter [tilespmem:s15], [sflag:$0x4], $0x4000, $0x38;
	[tilespmem:$0x11800] =	vst v63  }
0x83: {  	s21 =	sadd.s32 $0x1, s21  }
0x84: {  	_ =	swait.ge [sflag:s19], $0x4000;
	p0 =	sne.s32 s21, s9  }
.Ltmp3:
0x85: {  	[sflag:s19] =	ssyncset.done $0x0;
	(pc) =	sbr.rel @p0 .LBB2_1-.Ltmp3, $4  }
0x86: {  	[sflag:s19] =	ssyncadd.s32 $0xFFFFC000  }
0x87: {  	_ =	swait.ge [sflag:s20], $0x4000  }
0x88: {  	[sflag:s20] =	ssyncset.done $0x0  }
0x89: {  	[sflag:s20] =	ssyncadd.s32 $0xFFFFC000  }
0x8a: {  	_ =	sfence.sel $0x180000  }
0x8b: {  	[bflag:$0x0] =	sbarrier.arrive $0xFFFF  }
0x8c: {  	p0 =	sne.s32 s0, $0x0;
	_ =	strace $0x9000004A  }
0x8d: {  	s0 =	sadd.s32 @!p0 $0x100000, s2;
	[bflag:$0x2] =	sbarrier.arrive $0xFFFF  }
0x8e: {  	[sflag:s0] =	ssyncadd.tile.s32 @!p0 $0x1;
	_ =	shalt  }
.Lfunc_end2:
_tile_overlayer_lowered:
.L_overlay_start_2:
0x8f: {  	(tag) =	ssettag $0x2  }
0x90: {  	s0 =	rddreg [dreg:$0x0];
	s2 =	stileid.u32  }
0x91: {  	s1 =	rddreg [dreg:$0x1];
	p0 =	sne.s32 s2, $0x0  }
0x92: {  	s3 =	rddreg [dreg:$0x2];
	[bflag:$0x3] =	sbarrier.arrive $0xFFFF;
	s2 =	simm.s32 @!p0 $0x1C05  }
0x93: {  	[timem:s3], [sflag:s2] =	dma.local @!p0 [hbm:s0], s1  }
0x94: {  	s0 =	simm.s32 @!p0 $0x5  }
0x95: {  	_ =	swait.ge @!p0 [sflag:s0], s1  }
0x96: {  	s1 =	ssub.s32 @!p0 $0x0, s1;
	[sflag:s0] =	ssyncset.done @!p0 $0x0  }
0x97: {  	[sflag:s0] =	ssyncadd.s32 @!p0 s1  }
0x98: {  	[bflag:$0x3] =	sbarrier.arrive $0xFFFF  }
0x99: {  	_ =	shalt  }

</sc_bundles>
